<compile_context>
chip_gen: v7x
topology: tpu7x:2x2x1
jax: 0.10.2.dev20260603
libtpu: 0.0.44.dev20260713+nightly
codegen_flags: <defaults>
</compile_context>

<pallas_src>
import functools

import jax
import jax.numpy as jnp
from jax.experimental import pallas as pl
from jax.experimental.pallas import tpu as pltpu

_B, _C, _H, _W = 2, 96, 224, 224
_CS = _C // 2
_R = 16
_NB = _H // _R
_RH = _R + 4
_KP = 9 * 128
_NC = 176
_CW = 228


def _body(sel_ref, x_ref, wcat_ref, dw_ref, pw_ref, g2_ref, bias_ref, wc_ref,
          o_ref, sc_ref):
    b = pl.program_id(0)
    i = pl.program_id(1)
    s0 = sel_ref[b, 0]
    s1 = sel_ref[b, 1]
    s2 = sel_ref[b, 2]
    wc = wc_ref[0]

    @pl.when((b == 0) & (i == 0))
    def _init():
        sc_ref[...] = jnp.zeros((_RH, _CW, _KP), jnp.bfloat16)

    xc = x_ref[0, 3:3 + _R, 4:228, :].astype(jnp.float32)
    o_ref[0] = xc * wc[3:4, :].reshape(1, 1, _C)

    @pl.when(s0 + s2 > 0)
    def _shared_matmul():
        for t in range(9):
            di, dj = t // 3, t % 3
            sc_ref[:, :, 128 * t:128 * t + _C] = (
                x_ref[0, di:di + _RH, 1 + dj:1 + dj + _CW, :])
        mm = jnp.dot(sc_ref[...].reshape(_RH * _CW, _KP), wcat_ref[...],
                     preferred_element_type=jnp.float32)
        mm3 = mm.reshape(_RH, _CW, _NC)

        @pl.when(s0 > 0)
        def _e0():
            e0l = mm3[2:2 + _R, 2:226, 0:_C] + bias_ref[0:1, :].reshape(1, 1, _C)
            o_ref[0] += (e0l * jax.nn.sigmoid(e0l)) * wc[0:1, :].reshape(1, 1, _C)

        @pl.when(s2 > 0)
        def _e2():
            yl = mm3[:, :, 128:176] + bias_ref[2:3, 0:_CS].reshape(1, 1, _CS)
            ya = yl * jax.nn.sigmoid(yl)
            y2l = jnp.zeros((_R, 224, _CS), jnp.float32)
            y2l += bias_ref[3:4, 0:_CS].reshape(1, 1, _CS)
            for t in range(25):
                u, v = t // 5, t % 5
                y2l += ya[u:u + _R, v:v + 224, :] * g2_ref[t:t + 1, :].reshape(1, 1, _CS)
            y2a = y2l * jax.nn.sigmoid(y2l)
            e2 = jnp.concatenate([ya[2:2 + _R, 2:226, :], y2a], axis=-1)
            o_ref[0] += e2 * wc[2:3, :].reshape(1, 1, _C)

    @pl.when(s1 > 0)
    def _e1():
        xir = x_ref[0, 1:1 + _RH, 2:230, _CS:_C].astype(jnp.float32)
        z = jnp.zeros((_R, 224, _CS), jnp.float32)
        for t in range(25):
            u, v = t // 5, t % 5
            z += xir[u:u + _R, v:v + 224, :] * dw_ref[t:t + 1, :].reshape(1, 1, _CS)
        p = jnp.dot(z.astype(jnp.bfloat16).reshape(_R * 224, _CS), pw_ref[...],
                    preferred_element_type=jnp.float32)
        e1l = p.reshape(_R, 224, _C) + bias_ref[1:2, :].reshape(1, 1, _C)
        o_ref[0] += (e1l * jax.nn.sigmoid(e1l)) * wc[1:2, :].reshape(1, 1, _C)


@functools.partial(jax.jit, static_argnums=())
def kernel(x, weights, indices, W0, g0, b0, m0, v0, Wdw, Wpw, g1, b1, m1, v1,
           Wg1, gg1, bg1, mg1, vg1, Wg2, gg2, bg2, mg2, vg2):
    f32 = jnp.float32
    eps = 1e-5

    s0 = g0 / jnp.sqrt(v0 + eps); t0 = b0 - m0 * s0
    W0f = W0 * s0[:, None, None, None]
    s1 = g1 / jnp.sqrt(v1 + eps); t1 = b1 - m1 * s1
    Wpwf = Wpw * s1[:, None, None, None]
    sg1 = gg1 / jnp.sqrt(vg1 + eps); tg1 = bg1 - mg1 * sg1
    Wg1f = Wg1 * sg1[:, None, None, None]
    sg2 = gg2 / jnp.sqrt(vg2 + eps); tg2 = bg2 - mg2 * sg2
    Wg2f = Wg2 * sg2[:, None, None, None]

    A0 = jnp.pad(W0f.transpose(2, 3, 1, 0), ((0, 0), (0, 0), (0, 128 - _CS), (0, 0)))
    A0 = A0.reshape(_KP, _C)
    A1 = jnp.pad(Wg1f.transpose(2, 3, 1, 0), ((0, 0), (0, 0), (0, 128 - _C), (0, 0)))
    A1 = A1.reshape(_KP, _CS)
    wcat = jnp.concatenate(
        [A0, jnp.zeros((_KP, 32), f32), A1], axis=1).astype(jnp.bfloat16)

    dwW = Wdw[:, 0].transpose(1, 2, 0).reshape(25, _CS)
    pwW = Wpwf[:, :, 0, 0].T.astype(jnp.bfloat16)
    g2w = Wg2f[:, 0].transpose(1, 2, 0).reshape(25, _CS)
    biasr = jnp.stack([t0, t1, jnp.pad(tg1, (0, _CS)), jnp.pad(tg2, (0, _CS))])

    onehot = (indices[:, :, None] == jnp.arange(4)[None, None, :]).astype(f32)
    wsum = jnp.einsum('bke,bkc->bec', onehot, weights)
    idc = 0.1 * jnp.sum(onehot[:, :, 3], axis=1)
    wcomb = wsum.at[:, 3, :].set(idc[:, None])
    selflags = (jnp.sum(onehot, axis=1) > 0).astype(jnp.int32)

    xt = jnp.pad(jnp.transpose(x, (0, 2, 3, 1)),
                 ((0, 0), (3, 3), (4, 4), (0, 0))).astype(jnp.bfloat16)

    spec = pltpu.PrefetchScalarGridSpec(
        num_scalar_prefetch=1,
        grid=(_B, _NB),
        in_specs=[
            pl.BlockSpec((pl.Element(1), pl.Element(_R + 6), pl.Element(232),
                          pl.Element(_C)), lambda b, i, *_: (b, i * _R, 0, 0)),
            pl.BlockSpec((_KP, _NC), lambda b, i, *_: (0, 0)),
            pl.BlockSpec((25, _CS), lambda b, i, *_: (0, 0)),
            pl.BlockSpec((_CS, _C), lambda b, i, *_: (0, 0)),
            pl.BlockSpec((25, _CS), lambda b, i, *_: (0, 0)),
            pl.BlockSpec((4, _C), lambda b, i, *_: (0, 0)),
            pl.BlockSpec((1, 4, _C), lambda b, i, *_: (b, 0, 0)),
        ],
        out_specs=pl.BlockSpec((1, _R, 224, _C), lambda b, i, *_: (b, i, 0, 0)),
        scratch_shapes=[pltpu.VMEM((_RH, _CW, _KP), jnp.bfloat16)],
    )
    out = pl.pallas_call(
        _body,
        grid_spec=spec,
        out_shape=jax.ShapeDtypeStruct((_B, _H, _W, _C), f32),
    )(selflags, xt, wcat, dwW, pwW, g2w, biasr, wcomb)
    return jnp.transpose(out, (0, 3, 1, 2))

# --- scband reference (transcript-rebuilt; emitter-appended) ---
"""Pipeline reference for scband-dual-modal-expert-container-85933705658887 (READ-ONLY COPY).

The authoritative reference and input builder live on the scoring server;
editing this copy changes nothing except your own understanding.
"""

import jax, jax.numpy as jnp
import numpy as np

B, C, H, W = 2, 96, 224, 224
CS = C // 2
K = 2

def conv2d(x, w, groups=1):
    k = w.shape[2]
    pad = k // 2
    return jax.lax.conv_general_dilated(x, w, (1, 1), [(pad, pad), (pad, pad)], dimension_numbers=('NCHW', 'OIHW', 'NCHW'), feature_group_count=groups)

def bn_silu(x, g, b, m, v):
    y = (x - m[None, :, None, None]) / jnp.sqrt(v[None, :, None, None] + 1e-5) * g[None, :, None, None] + b[None, :, None, None]
    return y * jax.nn.sigmoid(y)

def _bn_params(k, ch):
    k1, k2, k3, k4 = jax.random.split(k, 4)
    g = 1.0 + 0.1 * jax.random.normal(k1, (ch,), dtype=jnp.float32)
    b = 0.1 * jax.random.normal(k2, (ch,), dtype=jnp.float32)
    m = 0.1 * jax.random.normal(k3, (ch,), dtype=jnp.float32)
    v = jax.random.uniform(k4, (ch,), dtype=jnp.float32, minval=0.5, maxval=1.5)
    return g, b, m, v

def setup_inputs(seed: int = 0):
    key = jax.random.key(seed)
    ks = jax.random.split(key, 12)
    inp = {}
    inp['x'] = jax.random.normal(ks[0], (B, C, H, W), dtype=jnp.float32)
    inp['weights'] = jax.random.uniform(ks[1], (B, K, C), dtype=jnp.float32)
    inp['indices'] = jax.random.randint(ks[2], (B, K), 0, 4, dtype=jnp.int32)
    # expert 0: Conv(CS->C, k=3) + BN + SiLU
    inp['W0'] = jax.random.normal(ks[3], (C, CS, 3, 3), dtype=jnp.float32) * 0.05
    inp['g0'], inp['b0'], inp['m0'], inp['v0'] = _bn_params(ks[4], C)
    # expert 1: depthwise 5x5 (CS groups) -> pointwise 1x1 (CS->C) -> BN -> SiLU
    inp['Wdw'] = jax.random.normal(ks[5], (CS, 1, 5, 5), dtype=jnp.float32) * 0.05
    inp['Wpw'] = jax.random.normal(ks[6], (C, CS, 1, 1), dtype=jnp.float32) * 0.05
    inp['g1'], inp['b1'], inp['m1'], inp['v1'] = _bn_params(ks[7], C)
    # expert 2: GhostConv(C->C, k=3): cv1 Conv(C->CS, k=3), cv2 depthwise Conv(CS->CS, k=5, groups=CS), concat
    inp['Wg1'] = jax.random.normal(ks[8], (CS, C, 3, 3), dtype=jnp.float32) * 0.05
    inp['gg1'], inp['bg1'], inp['mg1'], inp['vg1'] = _bn_params(ks[9], CS)
    inp['Wg2'] = jax.random.normal(ks[10], (CS, 1, 5, 5), dtype=jnp.float32) * 0.05
    inp['gg2'], inp['bg2'], inp['mg2'], inp['vg2'] = _bn_params(ks[11], CS)
    return inp

def reference(x, weights, indices, W0, g0, b0, m0, v0, Wdw, Wpw, g1, b1, m1, v1, Wg1, gg1, bg1, mg1, vg1, Wg2, gg2, bg2, mg2, vg2):
    cs = CS
    x_rgb = x[:, :cs]
    x_ir = x[:, cs:]
    e0 = bn_silu(conv2d(x_rgb, W0), g0, b0, m0, v0)
    e1 = bn_silu(conv2d(conv2d(x_ir, Wdw, groups=cs), Wpw), g1, b1, m1, v1)
    y = bn_silu(conv2d(x, Wg1), gg1, bg1, mg1, vg1)
    y2 = bn_silu(conv2d(y, Wg2, groups=cs), gg2, bg2, mg2, vg2)
    e2 = jnp.concatenate([y, y2], axis=1)
    out = jnp.zeros_like(x)
    for k in range(weights.shape[1]):
        idxs = indices[:, k]
        wv = weights[:, k][:, :, None, None]
        out = out + (idxs == 0).astype(x.dtype)[:, None, None, None] * e0 * wv
        out = out + (idxs == 1).astype(x.dtype)[:, None, None, None] * e1 * wv
        out = out + (idxs == 2).astype(x.dtype)[:, None, None, None] * e2 * wv
        out = out + (idxs == 3).astype(x.dtype)[:, None, None, None] * x * 0.1
    return out

if __name__ == "__main__":
    import jax
    _d = setup_inputs()
    print(jax.jit(kernel)(*tuple(_d.values())))

</pallas_src>

<mosaic_0001>
module attributes {stable_mosaic.version = 14 : i64} {
  func.func @_body(%arg0: i32, %arg1: i32, %arg2: memref<2x4xi32, #tpu.memory_space<smem>>, %arg3: memref<1x22x232x96xbf16, #tpu.memory_space<vmem>>, %arg4: memref<1152x176xbf16, #tpu.memory_space<vmem>>, %arg5: memref<25x48xf32, #tpu.memory_space<vmem>>, %arg6: memref<48x96xbf16, #tpu.memory_space<vmem>>, %arg7: memref<25x48xf32, #tpu.memory_space<vmem>>, %arg8: memref<4x96xf32, #tpu.memory_space<vmem>>, %arg9: memref<1x4x96xf32, #tpu.memory_space<vmem>>, %arg10: memref<1x16x224x96xf32, #tpu.memory_space<vmem>>, %arg11: memref<20x228x1152xbf16, #tpu.memory_space<vmem>>) attributes {dimension_semantics = [#tpu.dimension_semantics<arbitrary>, #tpu.dimension_semantics<arbitrary>], iteration_bounds = array<i64: 2, 14>, scalar_prefetch = 1 : i64, scratch_operands = 1 : i64, tpu.core_type = #tpu.core_type<tc>, window_params = [{transform_indices = @transform_0, window_bounds = array<i64: 1, 22, 232, 96>, window_kind = #tpu.element_window<[0, 0, 0, 0], [0, 0, 0, 0]>}, {pipeline_mode = #tpu.pipeline_mode<synchronous>, transform_indices = @transform_1, window_bounds = array<i64: 1152, 176>}, {pipeline_mode = #tpu.pipeline_mode<synchronous>, transform_indices = @transform_2, window_bounds = array<i64: 25, 48>}, {pipeline_mode = #tpu.pipeline_mode<synchronous>, transform_indices = @transform_3, window_bounds = array<i64: 48, 96>}, {pipeline_mode = #tpu.pipeline_mode<synchronous>, transform_indices = @transform_4, window_bounds = array<i64: 25, 48>}, {pipeline_mode = #tpu.pipeline_mode<synchronous>, transform_indices = @transform_5, window_bounds = array<i64: 4, 96>}, {transform_indices = @transform_6, window_bounds = array<i64: 1, 4, 96>}, {transform_indices = @transform_7, window_bounds = array<i64: 1, 16, 224, 96>}]} {
    %get3A = arith.index_cast %arg0 : i32 to index
    %get3A_0 = arith.constant 0 : index
    %get3A_1 = memref.load %arg2[%get3A, %get3A_0] : memref<2x4xi32, #tpu.memory_space<smem>>
    %get3A_2 = arith.index_cast %arg0 : i32 to index
    %get3A_3 = arith.constant 1 : index
    %get3A_4 = memref.load %arg2[%get3A_2, %get3A_3] : memref<2x4xi32, #tpu.memory_space<smem>>
    %get3A_5 = arith.index_cast %arg0 : i32 to index
    %get3A_6 = arith.constant 2 : index
    %get3A_7 = memref.load %arg2[%get3A_5, %get3A_6] : memref<2x4xi32, #tpu.memory_space<smem>>
    %get3A_8 = arith.constant 0 : index
    %get3A_9 = arith.constant 0 : index
    %get3A_10 = arith.constant 0 : index
    %get3A_11 = vector.load %arg9[%get3A_8, %get3A_9, %get3A_10] : memref<1x4x96xf32, #tpu.memory_space<vmem>>, vector<1x4x96xf32>
    %get3A_12 = vector.shape_cast %get3A_11 : vector<1x4x96xf32> to vector<4x96xf32>
    %eq3A = arith.constant 0 : i32
    %eq3A_13 = arith.cmpi eq, %arg0, %eq3A : i32
    %eq3A_14 = arith.constant 0 : i32
    %eq3A_15 = arith.cmpi eq, %arg1, %eq3A_14 : i32
    %and3A = arith.andi %eq3A_13, %eq3A_15 : i1
    %convert_element_type3A = arith.extui %and3A : i1 to i32
    %cond3A = arith.constant 0 : i32
    %cond3A_16 = arith.cmpi ne, %convert_element_type3A, %cond3A : i32
    scf.if %cond3A_16 {
      %broadcast_in_dim3A = arith.constant 0.000000e+00 : bf16
      %broadcast_in_dim3A_40 = vector.broadcast %broadcast_in_dim3A : bf16 to vector<20x228x1152xbf16>
      %swap3A_41 = arith.constant 0 : index
      %swap3A_42 = arith.constant 0 : index
      %swap3A_43 = arith.constant 0 : index
      %swap3A_44 = vector.load %arg11[%swap3A_41, %swap3A_42, %swap3A_43] : memref<20x228x1152xbf16, #tpu.memory_space<vmem>>, vector<20x228x1152xbf16>
      tpu.vector_store %arg11[%swap3A_41, %swap3A_42, %swap3A_43], %broadcast_in_dim3A_40 {strides = array<i32>} : memref<20x228x1152xbf16, #tpu.memory_space<vmem>>, vector<20x228x1152xbf16>,
    } else {
    }
    %get3A_17 = arith.constant 0 : index
    %get3A_18 = arith.constant 3 : index
    %get3A_19 = arith.constant 4 : index
    %get3A_20 = arith.constant 0 : index
    %get3A_21 = vector.load %arg3[%get3A_17, %get3A_18, %get3A_19, %get3A_20] : memref<1x22x232x96xbf16, #tpu.memory_space<vmem>>, vector<1x16x224x96xbf16>
    %get3A_22 = vector.shape_cast %get3A_21 : vector<1x16x224x96xbf16> to vector<16x224x96xbf16>
    %convert_element_type3A_23 = arith.extf %get3A_22 : vector<16x224x96xbf16> to vector<16x224x96xf32>
    %slice3A = vector.extract_strided_slice %get3A_12 {offsets = [3, 0], sizes = [1, 96], strides = [1, 1]} : vector<4x96xf32> to vector<1x96xf32>
    %reshape3A = vector.shape_cast %slice3A : vector<1x96xf32> to vector<1x1x96xf32>
    %mul3A = vector.broadcast %reshape3A : vector<1x1x96xf32> to vector<16x224x96xf32>
    %mul3A_24 = arith.mulf %convert_element_type3A_23, %mul3A : vector<16x224x96xf32>
    %swap3A = arith.constant 0 : index
    %swap3A_25 = arith.constant 0 : index
    %swap3A_26 = arith.constant 0 : index
    %swap3A_27 = arith.constant 0 : index
    %swap3A_28 = vector.load %arg10[%swap3A, %swap3A_25, %swap3A_26, %swap3A_27] : memref<1x16x224x96xf32, #tpu.memory_space<vmem>>, vector<1x16x224x96xf32>
    %swap3A_29 = vector.shape_cast %swap3A_28 : vector<1x16x224x96xf32> to vector<16x224x96xf32>
    %swap3A_30 = vector.shape_cast %mul3A_24 : vector<16x224x96xf32> to vector<1x16x224x96xf32>
    tpu.vector_store %arg10[%swap3A, %swap3A_25, %swap3A_26, %swap3A_27], %swap3A_30 {strides = array<i32>} : memref<1x16x224x96xf32, #tpu.memory_space<vmem>>, vector<1x16x224x96xf32>,
    %add3A = arith.addi %get3A_1, %get3A_7 : i32
    %gt3A = arith.constant 0 : i32
    %gt3A_31 = arith.cmpi sgt, %add3A, %gt3A : i32
    %convert_element_type3A_32 = arith.extui %gt3A_31 : i1 to i32
    %cond3A_33 = arith.constant 0 : i32
    %cond3A_34 = arith.cmpi ne, %convert_element_type3A_32, %cond3A_33 : i32
    scf.if %cond3A_34 {
      %get3A_40 = arith.constant 0 : index
      %get3A_41 = arith.constant 0 : index
      %get3A_42 = arith.constant 1 : index
      %get3A_43 = arith.constant 0 : index
      %get3A_44 = vector.load %arg3[%get3A_40, %get3A_41, %get3A_42, %get3A_43] : memref<1x22x232x96xbf16, #tpu.memory_space<vmem>>, vector<1x20x228x96xbf16>
      %get3A_45 = vector.shape_cast %get3A_44 : vector<1x20x228x96xbf16> to vector<20x228x96xbf16>
      %swap3A_46 = arith.constant 0 : index
      %swap3A_47 = arith.constant 0 : index
      %swap3A_48 = arith.constant 0 : index
      %swap3A_49 = vector.load %arg11[%swap3A_46, %swap3A_47, %swap3A_48] : memref<20x228x1152xbf16, #tpu.memory_space<vmem>>, vector<20x228x96xbf16>
      tpu.vector_store %arg11[%swap3A_46, %swap3A_47, %swap3A_48], %get3A_45 {strides = array<i32>} : memref<20x228x1152xbf16, #tpu.memory_space<vmem>>, vector<20x228x96xbf16>,
      %get3A_50 = arith.constant 0 : index
      %get3A_51 = arith.constant 0 : index
      %get3A_52 = arith.constant 2 : index
      %get3A_53 = arith.constant 0 : index
      %get3A_54 = vector.load %arg3[%get3A_50, %get3A_51, %get3A_52, %get3A_53] : memref<1x22x232x96xbf16, #tpu.memory_space<vmem>>, vector<1x20x228x96xbf16>
      %get3A_55 = vector.shape_cast %get3A_54 : vector<1x20x228x96xbf16> to vector<20x228x96xbf16>
      %swap3A_56 = arith.constant 0 : index
      %swap3A_57 = arith.constant 0 : index
      %swap3A_58 = arith.constant 128 : index
      %swap3A_59 = vector.load %arg11[%swap3A_56, %swap3A_57, %swap3A_58] : memref<20x228x1152xbf16, #tpu.memory_space<vmem>>, vector<20x228x96xbf16>
      tpu.vector_store %arg11[%swap3A_56, %swap3A_57, %swap3A_58], %get3A_55 {strides = array<i32>} : memref<20x228x1152xbf16, #tpu.memory_space<vmem>>, vector<20x228x96xbf16>,
      %get3A_60 = arith.constant 0 : index
      %get3A_61 = arith.constant 0 : index
      %get3A_62 = arith.constant 3 : index
      %get3A_63 = arith.constant 0 : index
      %get3A_64 = vector.load %arg3[%get3A_60, %get3A_61, %get3A_62, %get3A_63] : memref<1x22x232x96xbf16, #tpu.memory_space<vmem>>, vector<1x20x228x96xbf16>
      %get3A_65 = vector.shape_cast %get3A_64 : vector<1x20x228x96xbf16> to vector<20x228x96xbf16>
      %swap3A_66 = arith.constant 0 : index
      %swap3A_67 = arith.constant 0 : index
      %swap3A_68 = arith.constant 256 : index
      %swap3A_69 = vector.load %arg11[%swap3A_66, %swap3A_67, %swap3A_68] : memref<20x228x1152xbf16, #tpu.memory_space<vmem>>, vector<20x228x96xbf16>
      tpu.vector_store %arg11[%swap3A_66, %swap3A_67, %swap3A_68], %get3A_65 {strides = array<i32>} : memref<20x228x1152xbf16, #tpu.memory_space<vmem>>, vector<20x228x96xbf16>,
      %get3A_70 = arith.constant 0 : index
      %get3A_71 = arith.constant 1 : index
      %get3A_72 = arith.constant 1 : index
      %get3A_73 = arith.constant 0 : index
      %get3A_74 = vector.load %arg3[%get3A_70, %get3A_71, %get3A_72, %get3A_73] : memref<1x22x232x96xbf16, #tpu.memory_space<vmem>>, vector<1x20x228x96xbf16>
      %get3A_75 = vector.shape_cast %get3A_74 : vector<1x20x228x96xbf16> to vector<20x228x96xbf16>
      %swap3A_76 = arith.constant 0 : index
      %swap3A_77 = arith.constant 0 : index
      %swap3A_78 = arith.constant 384 : index
      %swap3A_79 = vector.load %arg11[%swap3A_76, %swap3A_77, %swap3A_78] : memref<20x228x1152xbf16, #tpu.memory_space<vmem>>, vector<20x228x96xbf16>
      tpu.vector_store %arg11[%swap3A_76, %swap3A_77, %swap3A_78], %get3A_75 {strides = array<i32>} : memref<20x228x1152xbf16, #tpu.memory_space<vmem>>, vector<20x228x96xbf16>,
      %get3A_80 = arith.constant 0 : index
      %get3A_81 = arith.constant 1 : index
      %get3A_82 = arith.constant 2 : index
      %get3A_83 = arith.constant 0 : index
      %get3A_84 = vector.load %arg3[%get3A_80, %get3A_81, %get3A_82, %get3A_83] : memref<1x22x232x96xbf16, #tpu.memory_space<vmem>>, vector<1x20x228x96xbf16>
      %get3A_85 = vector.shape_cast %get3A_84 : vector<1x20x228x96xbf16> to vector<20x228x96xbf16>
      %swap3A_86 = arith.constant 0 : index
      %swap3A_87 = arith.constant 0 : index
      %swap3A_88 = arith.constant 512 : index
      %swap3A_89 = vector.load %arg11[%swap3A_86, %swap3A_87, %swap3A_88] : memref<20x228x1152xbf16, #tpu.memory_space<vmem>>, vector<20x228x96xbf16>
      tpu.vector_store %arg11[%swap3A_86, %swap3A_87, %swap3A_88], %get3A_85 {strides = array<i32>} : memref<20x228x1152xbf16, #tpu.memory_space<vmem>>, vector<20x228x96xbf16>,
      %get3A_90 = arith.constant 0 : index
      %get3A_91 = arith.constant 1 : index
      %get3A_92 = arith.constant 3 : index
      %get3A_93 = arith.constant 0 : index
      %get3A_94 = vector.load %arg3[%get3A_90, %get3A_91, %get3A_92, %get3A_93] : memref<1x22x232x96xbf16, #tpu.memory_space<vmem>>, vector<1x20x228x96xbf16>
      %get3A_95 = vector.shape_cast %get3A_94 : vector<1x20x228x96xbf16> to vector<20x228x96xbf16>
      %swap3A_96 = arith.constant 0 : index
      %swap3A_97 = arith.constant 0 : index
      %swap3A_98 = arith.constant 640 : index
      %swap3A_99 = vector.load %arg11[%swap3A_96, %swap3A_97, %swap3A_98] : memref<20x228x1152xbf16, #tpu.memory_space<vmem>>, vector<20x228x96xbf16>
      tpu.vector_store %arg11[%swap3A_96, %swap3A_97, %swap3A_98], %get3A_95 {strides = array<i32>} : memref<20x228x1152xbf16, #tpu.memory_space<vmem>>, vector<20x228x96xbf16>,
      %get3A_100 = arith.constant 0 : index
      %get3A_101 = arith.constant 2 : index
      %get3A_102 = arith.constant 1 : index
      %get3A_103 = arith.constant 0 : index
      %get3A_104 = vector.load %arg3[%get3A_100, %get3A_101, %get3A_102, %get3A_103] : memref<1x22x232x96xbf16, #tpu.memory_space<vmem>>, vector<1x20x228x96xbf16>
      %get3A_105 = vector.shape_cast %get3A_104 : vector<1x20x228x96xbf16> to vector<20x228x96xbf16>
      %swap3A_106 = arith.constant 0 : index
      %swap3A_107 = arith.constant 0 : index
      %swap3A_108 = arith.constant 768 : index
      %swap3A_109 = vector.load %arg11[%swap3A_106, %swap3A_107, %swap3A_108] : memref<20x228x1152xbf16, #tpu.memory_space<vmem>>, vector<20x228x96xbf16>
      tpu.vector_store %arg11[%swap3A_106, %swap3A_107, %swap3A_108], %get3A_105 {strides = array<i32>} : memref<20x228x1152xbf16, #tpu.memory_space<vmem>>, vector<20x228x96xbf16>,
      %get3A_110 = arith.constant 0 : index
      %get3A_111 = arith.constant 2 : index
      %get3A_112 = arith.constant 2 : index
      %get3A_113 = arith.constant 0 : index
      %get3A_114 = vector.load %arg3[%get3A_110, %get3A_111, %get3A_112, %get3A_113] : memref<1x22x232x96xbf16, #tpu.memory_space<vmem>>, vector<1x20x228x96xbf16>
      %get3A_115 = vector.shape_cast %get3A_114 : vector<1x20x228x96xbf16> to vector<20x228x96xbf16>
      %swap3A_116 = arith.constant 0 : index
      %swap3A_117 = arith.constant 0 : index
      %swap3A_118 = arith.constant 896 : index
      %swap3A_119 = vector.load %arg11[%swap3A_116, %swap3A_117, %swap3A_118] : memref<20x228x1152xbf16, #tpu.memory_space<vmem>>, vector<20x228x96xbf16>
      tpu.vector_store %arg11[%swap3A_116, %swap3A_117, %swap3A_118], %get3A_115 {strides = array<i32>} : memref<20x228x1152xbf16, #tpu.memory_space<vmem>>, vector<20x228x96xbf16>,
      %get3A_120 = arith.constant 0 : index
      %get3A_121 = arith.constant 2 : index
      %get3A_122 = arith.constant 3 : index
      %get3A_123 = arith.constant 0 : index
      %get3A_124 = vector.load %arg3[%get3A_120, %get3A_121, %get3A_122, %get3A_123] : memref<1x22x232x96xbf16, #tpu.memory_space<vmem>>, vector<1x20x228x96xbf16>
      %get3A_125 = vector.shape_cast %get3A_124 : vector<1x20x228x96xbf16> to vector<20x228x96xbf16>
      %swap3A_126 = arith.constant 0 : index
      %swap3A_127 = arith.constant 0 : index
      %swap3A_128 = arith.constant 1024 : index
      %swap3A_129 = vector.load %arg11[%swap3A_126, %swap3A_127, %swap3A_128] : memref<20x228x1152xbf16, #tpu.memory_space<vmem>>, vector<20x228x96xbf16>
      tpu.vector_store %arg11[%swap3A_126, %swap3A_127, %swap3A_128], %get3A_125 {strides = array<i32>} : memref<20x228x1152xbf16, #tpu.memory_space<vmem>>, vector<20x228x96xbf16>,
      %get3A_130 = arith.constant 0 : index
      %get3A_131 = arith.constant 0 : index
      %get3A_132 = arith.constant 0 : index
      %get3A_133 = vector.load %arg11[%get3A_130, %get3A_131, %get3A_132] : memref<20x228x1152xbf16, #tpu.memory_space<vmem>>, vector<20x228x1152xbf16>
      %reshape3A_134 = vector.shape_cast %get3A_133 : vector<20x228x1152xbf16> to vector<4560x1152xbf16>
      %get3A_135 = arith.constant 0 : index
      %get3A_136 = arith.constant 0 : index
      %get3A_137 = vector.load %arg4[%get3A_135, %get3A_136] : memref<1152x176xbf16, #tpu.memory_space<vmem>>, vector<1152x176xbf16>
      %dot_general3A = arith.constant dense<0.000000e+00> : vector<4560x176xf32>
      %dot_general3A_138 = tpu.matmul %reshape3A_134, %get3A_137, %dot_general3A {dimension_numbers = #tpu.dot_dimension_numbers<[1], [0], [0], [1], [0, 0, 1, 1], [], []>, transpose_lhs_hint = false} : vector<4560x1152xbf16>, vector<1152x176xbf16>, vector<4560x176xf32> -> vector<4560x176xf32>
      %reshape3A_139 = vector.shape_cast %dot_general3A_138 : vector<4560x176xf32> to vector<20x228x176xf32>
      %gt3A_140 = arith.constant 0 : i32
      %gt3A_141 = arith.cmpi sgt, %get3A_1, %gt3A_140 : i32
      %convert_element_type3A_142 = arith.extui %gt3A_141 : i1 to i32
      %cond3A_143 = arith.constant 0 : i32
      %cond3A_144 = arith.cmpi ne, %convert_element_type3A_142, %cond3A_143 : i32
      scf.if %cond3A_144 {
        %slice3A_150 = vector.extract_strided_slice %reshape3A_139 {offsets = [2, 2, 0], sizes = [16, 224, 96], strides = [1, 1, 1]} : vector<20x228x176xf32> to vector<16x224x96xf32>
        %get3A_151 = arith.constant 0 : index
        %get3A_152 = arith.constant 0 : index
        %get3A_153 = vector.load %arg8[%get3A_151, %get3A_152] : memref<4x96xf32, #tpu.memory_space<vmem>>, vector<1x96xf32>
        %reshape3A_154 = vector.shape_cast %get3A_153 : vector<1x96xf32> to vector<1x1x96xf32>
        %add3A_155 = vector.broadcast %reshape3A_154 : vector<1x1x96xf32> to vector<16x224x96xf32>
        %add3A_156 = arith.addf %slice3A_150, %add3A_155 : vector<16x224x96xf32>
        %get3A_157 = arith.constant 0 : index
        %get3A_158 = arith.constant 0 : index
        %get3A_159 = arith.constant 0 : index
        %get3A_160 = arith.constant 0 : index
        %get3A_161 = vector.load %arg10[%get3A_157, %get3A_158, %get3A_159, %get3A_160] : memref<1x16x224x96xf32, #tpu.memory_space<vmem>>, vector<1x16x224x96xf32>
        %get3A_162 = vector.shape_cast %get3A_161 : vector<1x16x224x96xf32> to vector<16x224x96xf32>
        %logistic3A = arith.negf %add3A_156 : vector<16x224x96xf32>
        %logistic3A_163 = math.exp %logistic3A : vector<16x224x96xf32>
        %logistic3A_164 = arith.constant 1.000000e+00 : f32
        %logistic3A_165 = vector.broadcast %logistic3A_164 : f32 to vector<16x224x96xf32>
        %logistic3A_166 = arith.addf %logistic3A_165, %logistic3A_163 : vector<16x224x96xf32>
        %logistic3A_167 = arith.divf %logistic3A_165, %logistic3A_166 : vector<16x224x96xf32>
        %mul3A_168 = arith.mulf %add3A_156, %logistic3A_167 : vector<16x224x96xf32>
        %slice3A_169 = vector.extract_strided_slice %get3A_12 {offsets = [0, 0], sizes = [1, 96], strides = [1, 1]} : vector<4x96xf32> to vector<1x96xf32>
        %reshape3A_170 = vector.shape_cast %slice3A_169 : vector<1x96xf32> to vector<1x1x96xf32>
        %mul3A_171 = vector.broadcast %reshape3A_170 : vector<1x1x96xf32> to vector<16x224x96xf32>
        %mul3A_172 = arith.mulf %mul3A_168, %mul3A_171 : vector<16x224x96xf32>
        %add3A_173 = arith.addf %get3A_162, %mul3A_172 : vector<16x224x96xf32>
        %swap3A_174 = arith.constant 0 : index
        %swap3A_175 = arith.constant 0 : index
        %swap3A_176 = arith.constant 0 : index
        %swap3A_177 = arith.constant 0 : index
        %swap3A_178 = vector.load %arg10[%swap3A_174, %swap3A_175, %swap3A_176, %swap3A_177] : memref<1x16x224x96xf32, #tpu.memory_space<vmem>>, vector<1x16x224x96xf32>
        %swap3A_179 = vector.shape_cast %swap3A_178 : vector<1x16x224x96xf32> to vector<16x224x96xf32>
        %swap3A_180 = vector.shape_cast %add3A_173 : vector<16x224x96xf32> to vector<1x16x224x96xf32>
        tpu.vector_store %arg10[%swap3A_174, %swap3A_175, %swap3A_176, %swap3A_177], %swap3A_180 {strides = array<i32>} : memref<1x16x224x96xf32, #tpu.memory_space<vmem>>, vector<1x16x224x96xf32>,
      } else {
      }
      %gt3A_145 = arith.constant 0 : i32
      %gt3A_146 = arith.cmpi sgt, %get3A_7, %gt3A_145 : i32
      %convert_element_type3A_147 = arith.extui %gt3A_146 : i1 to i32
      %cond3A_148 = arith.constant 0 : i32
      %cond3A_149 = arith.cmpi ne, %convert_element_type3A_147, %cond3A_148 : i32
      scf.if %cond3A_149 {
        %slice3A_150 = vector.extract_strided_slice %reshape3A_139 {offsets = [0, 0, 128], sizes = [20, 228, 48], strides = [1, 1, 1]} : vector<20x228x176xf32> to vector<20x228x48xf32>
        %get3A_151 = arith.constant 2 : index
        %get3A_152 = arith.constant 0 : index
        %get3A_153 = vector.load %arg8[%get3A_151, %get3A_152] : memref<4x96xf32, #tpu.memory_space<vmem>>, vector<1x48xf32>
        %reshape3A_154 = vector.shape_cast %get3A_153 : vector<1x48xf32> to vector<1x1x48xf32>
        %add3A_155 = vector.broadcast %reshape3A_154 : vector<1x1x48xf32> to vector<20x228x48xf32>
        %add3A_156 = arith.addf %slice3A_150, %add3A_155 : vector<20x228x48xf32>
        %logistic3A = arith.negf %add3A_156 : vector<20x228x48xf32>
        %logistic3A_157 = math.exp %logistic3A : vector<20x228x48xf32>
        %logistic3A_158 = arith.constant 1.000000e+00 : f32
        %logistic3A_159 = vector.broadcast %logistic3A_158 : f32 to vector<20x228x48xf32>
        %logistic3A_160 = arith.addf %logistic3A_159, %logistic3A_157 : vector<20x228x48xf32>
        %logistic3A_161 = arith.divf %logistic3A_159, %logistic3A_160 : vector<20x228x48xf32>
        %mul3A_162 = arith.mulf %add3A_156, %logistic3A_161 : vector<20x228x48xf32>
        %broadcast_in_dim3A = arith.constant 0.000000e+00 : f32
        %broadcast_in_dim3A_163 = vector.broadcast %broadcast_in_dim3A : f32 to vector<16x224x48xf32>
        %get3A_164 = arith.constant 3 : index
        %get3A_165 = arith.constant 0 : index
        %get3A_166 = vector.load %arg8[%get3A_164, %get3A_165] : memref<4x96xf32, #tpu.memory_space<vmem>>, vector<1x48xf32>
        %reshape3A_167 = vector.shape_cast %get3A_166 : vector<1x48xf32> to vector<1x1x48xf32>
        %add3A_168 = vector.broadcast %reshape3A_167 : vector<1x1x48xf32> to vector<16x224x48xf32>
        %add3A_169 = arith.addf %broadcast_in_dim3A_163, %add3A_168 : vector<16x224x48xf32>
        %slice3A_170 = vector.extract_strided_slice %mul3A_162 {offsets = [0, 0, 0], sizes = [16, 224, 48], strides = [1, 1, 1]} : vector<20x228x48xf32> to vector<16x224x48xf32>
        %get3A_171 = arith.constant 0 : index
        %get3A_172 = arith.constant 0 : index
        %get3A_173 = vector.load %arg7[%get3A_171, %get3A_172] : memref<25x48xf32, #tpu.memory_space<vmem>>, vector<1x48xf32>
        %reshape3A_174 = vector.shape_cast %get3A_173 : vector<1x48xf32> to vector<1x1x48xf32>
        %mul3A_175 = vector.broadcast %reshape3A_174 : vector<1x1x48xf32> to vector<16x224x48xf32>
        %mul3A_176 = arith.mulf %slice3A_170, %mul3A_175 : vector<16x224x48xf32>
        %add3A_177 = arith.addf %add3A_169, %mul3A_176 : vector<16x224x48xf32>
        %slice3A_178 = vector.extract_strided_slice %mul3A_162 {offsets = [0, 1, 0], sizes = [16, 224, 48], strides = [1, 1, 1]} : vector<20x228x48xf32> to vector<16x224x48xf32>
        %get3A_179 = arith.constant 1 : index
        %get3A_180 = arith.constant 0 : index
        %get3A_181 = vector.load %arg7[%get3A_179, %get3A_180] : memref<25x48xf32, #tpu.memory_space<vmem>>, vector<1x48xf32>
        %reshape3A_182 = vector.shape_cast %get3A_181 : vector<1x48xf32> to vector<1x1x48xf32>
        %mul3A_183 = vector.broadcast %reshape3A_182 : vector<1x1x48xf32> to vector<16x224x48xf32>
        %mul3A_184 = arith.mulf %slice3A_178, %mul3A_183 : vector<16x224x48xf32>
        %add3A_185 = arith.addf %add3A_177, %mul3A_184 : vector<16x224x48xf32>
        %slice3A_186 = vector.extract_strided_slice %mul3A_162 {offsets = [0, 2, 0], sizes = [16, 224, 48], strides = [1, 1, 1]} : vector<20x228x48xf32> to vector<16x224x48xf32>
        %get3A_187 = arith.constant 2 : index
        %get3A_188 = arith.constant 0 : index
        %get3A_189 = vector.load %arg7[%get3A_187, %get3A_188] : memref<25x48xf32, #tpu.memory_space<vmem>>, vector<1x48xf32>
        %reshape3A_190 = vector.shape_cast %get3A_189 : vector<1x48xf32> to vector<1x1x48xf32>
        %mul3A_191 = vector.broadcast %reshape3A_190 : vector<1x1x48xf32> to vector<16x224x48xf32>
        %mul3A_192 = arith.mulf %slice3A_186, %mul3A_191 : vector<16x224x48xf32>
        %add3A_193 = arith.addf %add3A_185, %mul3A_192 : vector<16x224x48xf32>
        %slice3A_194 = vector.extract_strided_slice %mul3A_162 {offsets = [0, 3, 0], sizes = [16, 224, 48], strides = [1, 1, 1]} : vector<20x228x48xf32> to vector<16x224x48xf32>
        %get3A_195 = arith.constant 3 : index
        %get3A_196 = arith.constant 0 : index
        %get3A_197 = vector.load %arg7[%get3A_195, %get3A_196] : memref<25x48xf32, #tpu.memory_space<vmem>>, vector<1x48xf32>
        %reshape3A_198 = vector.shape_cast %get3A_197 : vector<1x48xf32> to vector<1x1x48xf32>
        %mul3A_199 = vector.broadcast %reshape3A_198 : vector<1x1x48xf32> to vector<16x224x48xf32>
        %mul3A_200 = arith.mulf %slice3A_194, %mul3A_199 : vector<16x224x48xf32>
        %add3A_201 = arith.addf %add3A_193, %mul3A_200 : vector<16x224x48xf32>
        %slice3A_202 = vector.extract_strided_slice %mul3A_162 {offsets = [0, 4, 0], sizes = [16, 224, 48], strides = [1, 1, 1]} : vector<20x228x48xf32> to vector<16x224x48xf32>
        %get3A_203 = arith.constant 4 : index
        %get3A_204 = arith.constant 0 : index
        %get3A_205 = vector.load %arg7[%get3A_203, %get3A_204] : memref<25x48xf32, #tpu.memory_space<vmem>>, vector<1x48xf32>
        %reshape3A_206 = vector.shape_cast %get3A_205 : vector<1x48xf32> to vector<1x1x48xf32>
        %mul3A_207 = vector.broadcast %reshape3A_206 : vector<1x1x48xf32> to vector<16x224x48xf32>
        %mul3A_208 = arith.mulf %slice3A_202, %mul3A_207 : vector<16x224x48xf32>
        %add3A_209 = arith.addf %add3A_201, %mul3A_208 : vector<16x224x48xf32>
        %slice3A_210 = vector.extract_strided_slice %mul3A_162 {offsets = [1, 0, 0], sizes = [16, 224, 48], strides = [1, 1, 1]} : vector<20x228x48xf32> to vector<16x224x48xf32>
        %get3A_211 = arith.constant 5 : index
        %get3A_212 = arith.constant 0 : index
        %get3A_213 = vector.load %arg7[%get3A_211, %get3A_212] : memref<25x48xf32, #tpu.memory_space<vmem>>, vector<1x48xf32>
        %reshape3A_214 = vector.shape_cast %get3A_213 : vector<1x48xf32> to vector<1x1x48xf32>
        %mul3A_215 = vector.broadcast %reshape3A_214 : vector<1x1x48xf32> to vector<16x224x48xf32>
        %mul3A_216 = arith.mulf %slice3A_210, %mul3A_215 : vector<16x224x48xf32>
        %add3A_217 = arith.addf %add3A_209, %mul3A_216 : vector<16x224x48xf32>
        %slice3A_218 = vector.extract_strided_slice %mul3A_162 {offsets = [1, 1, 0], sizes = [16, 224, 48], strides = [1, 1, 1]} : vector<20x228x48xf32> to vector<16x224x48xf32>
        %get3A_219 = arith.constant 6 : index
        %get3A_220 = arith.constant 0 : index
        %get3A_221 = vector.load %arg7[%get3A_219, %get3A_220] : memref<25x48xf32, #tpu.memory_space<vmem>>, vector<1x48xf32>
        %reshape3A_222 = vector.shape_cast %get3A_221 : vector<1x48xf32> to vector<1x1x48xf32>
        %mul3A_223 = vector.broadcast %reshape3A_222 : vector<1x1x48xf32> to vector<16x224x48xf32>
        %mul3A_224 = arith.mulf %slice3A_218, %mul3A_223 : vector<16x224x48xf32>
        %add3A_225 = arith.addf %add3A_217, %mul3A_224 : vector<16x224x48xf32>
        %slice3A_226 = vector.extract_strided_slice %mul3A_162 {offsets = [1, 2, 0], sizes = [16, 224, 48], strides = [1, 1, 1]} : vector<20x228x48xf32> to vector<16x224x48xf32>
        %get3A_227 = arith.constant 7 : index
        %get3A_228 = arith.constant 0 : index
        %get3A_229 = vector.load %arg7[%get3A_227, %get3A_228] : memref<25x48xf32, #tpu.memory_space<vmem>>, vector<1x48xf32>
        %reshape3A_230 = vector.shape_cast %get3A_229 : vector<1x48xf32> to vector<1x1x48xf32>
        %mul3A_231 = vector.broadcast %reshape3A_230 : vector<1x1x48xf32> to vector<16x224x48xf32>
        %mul3A_232 = arith.mulf %slice3A_226, %mul3A_231 : vector<16x224x48xf32>
        %add3A_233 = arith.addf %add3A_225, %mul3A_232 : vector<16x224x48xf32>
        %slice3A_234 = vector.extract_strided_slice %mul3A_162 {offsets = [1, 3, 0], sizes = [16, 224, 48], strides = [1, 1, 1]} : vector<20x228x48xf32> to vector<16x224x48xf32>
        %get3A_235 = arith.constant 8 : index
        %get3A_236 = arith.constant 0 : index
        %get3A_237 = vector.load %arg7[%get3A_235, %get3A_236] : memref<25x48xf32, #tpu.memory_space<vmem>>, vector<1x48xf32>
        %reshape3A_238 = vector.shape_cast %get3A_237 : vector<1x48xf32> to vector<1x1x48xf32>
        %mul3A_239 = vector.broadcast %reshape3A_238 : vector<1x1x48xf32> to vector<16x224x48xf32>
        %mul3A_240 = arith.mulf %slice3A_234, %mul3A_239 : vector<16x224x48xf32>
        %add3A_241 = arith.addf %add3A_233, %mul3A_240 : vector<16x224x48xf32>
        %slice3A_242 = vector.extract_strided_slice %mul3A_162 {offsets = [1, 4, 0], sizes = [16, 224, 48], strides = [1, 1, 1]} : vector<20x228x48xf32> to vector<16x224x48xf32>
        %get3A_243 = arith.constant 9 : index
        %get3A_244 = arith.constant 0 : index
        %get3A_245 = vector.load %arg7[%get3A_243, %get3A_244] : memref<25x48xf32, #tpu.memory_space<vmem>>, vector<1x48xf32>
        %reshape3A_246 = vector.shape_cast %get3A_245 : vector<1x48xf32> to vector<1x1x48xf32>
        %mul3A_247 = vector.broadcast %reshape3A_246 : vector<1x1x48xf32> to vector<16x224x48xf32>
        %mul3A_248 = arith.mulf %slice3A_242, %mul3A_247 : vector<16x224x48xf32>
        %add3A_249 = arith.addf %add3A_241, %mul3A_248 : vector<16x224x48xf32>
        %slice3A_250 = vector.extract_strided_slice %mul3A_162 {offsets = [2, 0, 0], sizes = [16, 224, 48], strides = [1, 1, 1]} : vector<20x228x48xf32> to vector<16x224x48xf32>
        %get3A_251 = arith.constant 10 : index
        %get3A_252 = arith.constant 0 : index
        %get3A_253 = vector.load %arg7[%get3A_251, %get3A_252] : memref<25x48xf32, #tpu.memory_space<vmem>>, vector<1x48xf32>
        %reshape3A_254 = vector.shape_cast %get3A_253 : vector<1x48xf32> to vector<1x1x48xf32>
        %mul3A_255 = vector.broadcast %reshape3A_254 : vector<1x1x48xf32> to vector<16x224x48xf32>
        %mul3A_256 = arith.mulf %slice3A_250, %mul3A_255 : vector<16x224x48xf32>
        %add3A_257 = arith.addf %add3A_249, %mul3A_256 : vector<16x224x48xf32>
        %slice3A_258 = vector.extract_strided_slice %mul3A_162 {offsets = [2, 1, 0], sizes = [16, 224, 48], strides = [1, 1, 1]} : vector<20x228x48xf32> to vector<16x224x48xf32>
        %get3A_259 = arith.constant 11 : index
        %get3A_260 = arith.constant 0 : index
        %get3A_261 = vector.load %arg7[%get3A_259, %get3A_260] : memref<25x48xf32, #tpu.memory_space<vmem>>, vector<1x48xf32>
        %reshape3A_262 = vector.shape_cast %get3A_261 : vector<1x48xf32> to vector<1x1x48xf32>
        %mul3A_263 = vector.broadcast %reshape3A_262 : vector<1x1x48xf32> to vector<16x224x48xf32>
        %mul3A_264 = arith.mulf %slice3A_258, %mul3A_263 : vector<16x224x48xf32>
        %add3A_265 = arith.addf %add3A_257, %mul3A_264 : vector<16x224x48xf32>
        %slice3A_266 = vector.extract_strided_slice %mul3A_162 {offsets = [2, 2, 0], sizes = [16, 224, 48], strides = [1, 1, 1]} : vector<20x228x48xf32> to vector<16x224x48xf32>
        %get3A_267 = arith.constant 12 : index
        %get3A_268 = arith.constant 0 : index
        %get3A_269 = vector.load %arg7[%get3A_267, %get3A_268] : memref<25x48xf32, #tpu.memory_space<vmem>>, vector<1x48xf32>
        %reshape3A_270 = vector.shape_cast %get3A_269 : vector<1x48xf32> to vector<1x1x48xf32>
        %mul3A_271 = vector.broadcast %reshape3A_270 : vector<1x1x48xf32> to vector<16x224x48xf32>
        %mul3A_272 = arith.mulf %slice3A_266, %mul3A_271 : vector<16x224x48xf32>
        %add3A_273 = arith.addf %add3A_265, %mul3A_272 : vector<16x224x48xf32>
        %slice3A_274 = vector.extract_strided_slice %mul3A_162 {offsets = [2, 3, 0], sizes = [16, 224, 48], strides = [1, 1, 1]} : vector<20x228x48xf32> to vector<16x224x48xf32>
        %get3A_275 = arith.constant 13 : index
        %get3A_276 = arith.constant 0 : index
        %get3A_277 = vector.load %arg7[%get3A_275, %get3A_276] : memref<25x48xf32, #tpu.memory_space<vmem>>, vector<1x48xf32>
        %reshape3A_278 = vector.shape_cast %get3A_277 : vector<1x48xf32> to vector<1x1x48xf32>
        %mul3A_279 = vector.broadcast %reshape3A_278 : vector<1x1x48xf32> to vector<16x224x48xf32>
        %mul3A_280 = arith.mulf %slice3A_274, %mul3A_279 : vector<16x224x48xf32>
        %add3A_281 = arith.addf %add3A_273, %mul3A_280 : vector<16x224x48xf32>
        %slice3A_282 = vector.extract_strided_slice %mul3A_162 {offsets = [2, 4, 0], sizes = [16, 224, 48], strides = [1, 1, 1]} : vector<20x228x48xf32> to vector<16x224x48xf32>
        %get3A_283 = arith.constant 14 : index
        %get3A_284 = arith.constant 0 : index
        %get3A_285 = vector.load %arg7[%get3A_283, %get3A_284] : memref<25x48xf32, #tpu.memory_space<vmem>>, vector<1x48xf32>
        %reshape3A_286 = vector.shape_cast %get3A_285 : vector<1x48xf32> to vector<1x1x48xf32>
        %mul3A_287 = vector.broadcast %reshape3A_286 : vector<1x1x48xf32> to vector<16x224x48xf32>
        %mul3A_288 = arith.mulf %slice3A_282, %mul3A_287 : vector<16x224x48xf32>
        %add3A_289 = arith.addf %add3A_281, %mul3A_288 : vector<16x224x48xf32>
        %slice3A_290 = vector.extract_strided_slice %mul3A_162 {offsets = [3, 0, 0], sizes = [16, 224, 48], strides = [1, 1, 1]} : vector<20x228x48xf32> to vector<16x224x48xf32>
        %get3A_291 = arith.constant 15 : index
        %get3A_292 = arith.constant 0 : index
        %get3A_293 = vector.load %arg7[%get3A_291, %get3A_292] : memref<25x48xf32, #tpu.memory_space<vmem>>, vector<1x48xf32>
        %reshape3A_294 = vector.shape_cast %get3A_293 : vector<1x48xf32> to vector<1x1x48xf32>
        %mul3A_295 = vector.broadcast %reshape3A_294 : vector<1x1x48xf32> to vector<16x224x48xf32>
        %mul3A_296 = arith.mulf %slice3A_290, %mul3A_295 : vector<16x224x48xf32>
        %add3A_297 = arith.addf %add3A_289, %mul3A_296 : vector<16x224x48xf32>
        %slice3A_298 = vector.extract_strided_slice %mul3A_162 {offsets = [3, 1, 0], sizes = [16, 224, 48], strides = [1, 1, 1]} : vector<20x228x48xf32> to vector<16x224x48xf32>
        %get3A_299 = arith.constant 16 : index
        %get3A_300 = arith.constant 0 : index
        %get3A_301 = vector.load %arg7[%get3A_299, %get3A_300] : memref<25x48xf32, #tpu.memory_space<vmem>>, vector<1x48xf32>
        %reshape3A_302 = vector.shape_cast %get3A_301 : vector<1x48xf32> to vector<1x1x48xf32>
        %mul3A_303 = vector.broadcast %reshape3A_302 : vector<1x1x48xf32> to vector<16x224x48xf32>
        %mul3A_304 = arith.mulf %slice3A_298, %mul3A_303 : vector<16x224x48xf32>
        %add3A_305 = arith.addf %add3A_297, %mul3A_304 : vector<16x224x48xf32>
        %slice3A_306 = vector.extract_strided_slice %mul3A_162 {offsets = [3, 2, 0], sizes = [16, 224, 48], strides = [1, 1, 1]} : vector<20x228x48xf32> to vector<16x224x48xf32>
        %get3A_307 = arith.constant 17 : index
        %get3A_308 = arith.constant 0 : index
        %get3A_309 = vector.load %arg7[%get3A_307, %get3A_308] : memref<25x48xf32, #tpu.memory_space<vmem>>, vector<1x48xf32>
        %reshape3A_310 = vector.shape_cast %get3A_309 : vector<1x48xf32> to vector<1x1x48xf32>
        %mul3A_311 = vector.broadcast %reshape3A_310 : vector<1x1x48xf32> to vector<16x224x48xf32>
        %mul3A_312 = arith.mulf %slice3A_306, %mul3A_311 : vector<16x224x48xf32>
        %add3A_313 = arith.addf %add3A_305, %mul3A_312 : vector<16x224x48xf32>
        %slice3A_314 = vector.extract_strided_slice %mul3A_162 {offsets = [3, 3, 0], sizes = [16, 224, 48], strides = [1, 1, 1]} : vector<20x228x48xf32> to vector<16x224x48xf32>
        %get3A_315 = arith.constant 18 : index
        %get3A_316 = arith.constant 0 : index
        %get3A_317 = vector.load %arg7[%get3A_315, %get3A_316] : memref<25x48xf32, #tpu.memory_space<vmem>>, vector<1x48xf32>
        %reshape3A_318 = vector.shape_cast %get3A_317 : vector<1x48xf32> to vector<1x1x48xf32>
        %mul3A_319 = vector.broadcast %reshape3A_318 : vector<1x1x48xf32> to vector<16x224x48xf32>
        %mul3A_320 = arith.mulf %slice3A_314, %mul3A_319 : vector<16x224x48xf32>
        %add3A_321 = arith.addf %add3A_313, %mul3A_320 : vector<16x224x48xf32>
        %slice3A_322 = vector.extract_strided_slice %mul3A_162 {offsets = [3, 4, 0], sizes = [16, 224, 48], strides = [1, 1, 1]} : vector<20x228x48xf32> to vector<16x224x48xf32>
        %get3A_323 = arith.constant 19 : index
        %get3A_324 = arith.constant 0 : index
        %get3A_325 = vector.load %arg7[%get3A_323, %get3A_324] : memref<25x48xf32, #tpu.memory_space<vmem>>, vector<1x48xf32>
        %reshape3A_326 = vector.shape_cast %get3A_325 : vector<1x48xf32> to vector<1x1x48xf32>
        %mul3A_327 = vector.broadcast %reshape3A_326 : vector<1x1x48xf32> to vector<16x224x48xf32>
        %mul3A_328 = arith.mulf %slice3A_322, %mul3A_327 : vector<16x224x48xf32>
        %add3A_329 = arith.addf %add3A_321, %mul3A_328 : vector<16x224x48xf32>
        %slice3A_330 = vector.extract_strided_slice %mul3A_162 {offsets = [4, 0, 0], sizes = [16, 224, 48], strides = [1, 1, 1]} : vector<20x228x48xf32> to vector<16x224x48xf32>
        %get3A_331 = arith.constant 20 : index
        %get3A_332 = arith.constant 0 : index
        %get3A_333 = vector.load %arg7[%get3A_331, %get3A_332] : memref<25x48xf32, #tpu.memory_space<vmem>>, vector<1x48xf32>
        %reshape3A_334 = vector.shape_cast %get3A_333 : vector<1x48xf32> to vector<1x1x48xf32>
        %mul3A_335 = vector.broadcast %reshape3A_334 : vector<1x1x48xf32> to vector<16x224x48xf32>
        %mul3A_336 = arith.mulf %slice3A_330, %mul3A_335 : vector<16x224x48xf32>
        %add3A_337 = arith.addf %add3A_329, %mul3A_336 : vector<16x224x48xf32>
        %slice3A_338 = vector.extract_strided_slice %mul3A_162 {offsets = [4, 1, 0], sizes = [16, 224, 48], strides = [1, 1, 1]} : vector<20x228x48xf32> to vector<16x224x48xf32>
        %get3A_339 = arith.constant 21 : index
        %get3A_340 = arith.constant 0 : index
        %get3A_341 = vector.load %arg7[%get3A_339, %get3A_340] : memref<25x48xf32, #tpu.memory_space<vmem>>, vector<1x48xf32>
        %reshape3A_342 = vector.shape_cast %get3A_341 : vector<1x48xf32> to vector<1x1x48xf32>
        %mul3A_343 = vector.broadcast %reshape3A_342 : vector<1x1x48xf32> to vector<16x224x48xf32>
        %mul3A_344 = arith.mulf %slice3A_338, %mul3A_343 : vector<16x224x48xf32>
        %add3A_345 = arith.addf %add3A_337, %mul3A_344 : vector<16x224x48xf32>
        %slice3A_346 = vector.extract_strided_slice %mul3A_162 {offsets = [4, 2, 0], sizes = [16, 224, 48], strides = [1, 1, 1]} : vector<20x228x48xf32> to vector<16x224x48xf32>
        %get3A_347 = arith.constant 22 : index
        %get3A_348 = arith.constant 0 : index
        %get3A_349 = vector.load %arg7[%get3A_347, %get3A_348] : memref<25x48xf32, #tpu.memory_space<vmem>>, vector<1x48xf32>
        %reshape3A_350 = vector.shape_cast %get3A_349 : vector<1x48xf32> to vector<1x1x48xf32>
        %mul3A_351 = vector.broadcast %reshape3A_350 : vector<1x1x48xf32> to vector<16x224x48xf32>
        %mul3A_352 = arith.mulf %slice3A_346, %mul3A_351 : vector<16x224x48xf32>
        %add3A_353 = arith.addf %add3A_345, %mul3A_352 : vector<16x224x48xf32>
        %slice3A_354 = vector.extract_strided_slice %mul3A_162 {offsets = [4, 3, 0], sizes = [16, 224, 48], strides = [1, 1, 1]} : vector<20x228x48xf32> to vector<16x224x48xf32>
        %get3A_355 = arith.constant 23 : index
        %get3A_356 = arith.constant 0 : index
        %get3A_357 = vector.load %arg7[%get3A_355, %get3A_356] : memref<25x48xf32, #tpu.memory_space<vmem>>, vector<1x48xf32>
        %reshape3A_358 = vector.shape_cast %get3A_357 : vector<1x48xf32> to vector<1x1x48xf32>
        %mul3A_359 = vector.broadcast %reshape3A_358 : vector<1x1x48xf32> to vector<16x224x48xf32>
        %mul3A_360 = arith.mulf %slice3A_354, %mul3A_359 : vector<16x224x48xf32>
        %add3A_361 = arith.addf %add3A_353, %mul3A_360 : vector<16x224x48xf32>
        %slice3A_362 = vector.extract_strided_slice %mul3A_162 {offsets = [4, 4, 0], sizes = [16, 224, 48], strides = [1, 1, 1]} : vector<20x228x48xf32> to vector<16x224x48xf32>
        %get3A_363 = arith.constant 24 : index
        %get3A_364 = arith.constant 0 : index
        %get3A_365 = vector.load %arg7[%get3A_363, %get3A_364] : memref<25x48xf32, #tpu.memory_space<vmem>>, vector<1x48xf32>
        %reshape3A_366 = vector.shape_cast %get3A_365 : vector<1x48xf32> to vector<1x1x48xf32>
        %mul3A_367 = vector.broadcast %reshape3A_366 : vector<1x1x48xf32> to vector<16x224x48xf32>
        %mul3A_368 = arith.mulf %slice3A_362, %mul3A_367 : vector<16x224x48xf32>
        %add3A_369 = arith.addf %add3A_361, %mul3A_368 : vector<16x224x48xf32>
        %logistic3A_370 = arith.negf %add3A_369 : vector<16x224x48xf32>
        %logistic3A_371 = math.exp %logistic3A_370 : vector<16x224x48xf32>
        %logistic3A_372 = arith.constant 1.000000e+00 : f32
        %logistic3A_373 = vector.broadcast %logistic3A_372 : f32 to vector<16x224x48xf32>
        %logistic3A_374 = arith.addf %logistic3A_373, %logistic3A_371 : vector<16x224x48xf32>
        %logistic3A_375 = arith.divf %logistic3A_373, %logistic3A_374 : vector<16x224x48xf32>
        %mul3A_376 = arith.mulf %add3A_369, %logistic3A_375 : vector<16x224x48xf32>
        %slice3A_377 = vector.extract_strided_slice %mul3A_162 {offsets = [2, 2, 0], sizes = [16, 224, 48], strides = [1, 1, 1]} : vector<20x228x48xf32> to vector<16x224x48xf32>
        %concatenate3A = tpu.concatenate %slice3A_377, %mul3A_376 in 2 : vector<16x224x48xf32>, vector<16x224x48xf32> -> vector<16x224x96xf32>
        %get3A_378 = arith.constant 0 : index
        %get3A_379 = arith.constant 0 : index
        %get3A_380 = arith.constant 0 : index
        %get3A_381 = arith.constant 0 : index
        %get3A_382 = vector.load %arg10[%get3A_378, %get3A_379, %get3A_380, %get3A_381] : memref<1x16x224x96xf32, #tpu.memory_space<vmem>>, vector<1x16x224x96xf32>
        %get3A_383 = vector.shape_cast %get3A_382 : vector<1x16x224x96xf32> to vector<16x224x96xf32>
        %slice3A_384 = vector.extract_strided_slice %get3A_12 {offsets = [2, 0], sizes = [1, 96], strides = [1, 1]} : vector<4x96xf32> to vector<1x96xf32>
        %reshape3A_385 = vector.shape_cast %slice3A_384 : vector<1x96xf32> to vector<1x1x96xf32>
        %mul3A_386 = vector.broadcast %reshape3A_385 : vector<1x1x96xf32> to vector<16x224x96xf32>
        %mul3A_387 = arith.mulf %concatenate3A, %mul3A_386 : vector<16x224x96xf32>
        %add3A_388 = arith.addf %get3A_383, %mul3A_387 : vector<16x224x96xf32>
        %swap3A_389 = arith.constant 0 : index
        %swap3A_390 = arith.constant 0 : index
        %swap3A_391 = arith.constant 0 : index
        %swap3A_392 = arith.constant 0 : index
        %swap3A_393 = vector.load %arg10[%swap3A_389, %swap3A_390, %swap3A_391, %swap3A_392] : memref<1x16x224x96xf32, #tpu.memory_space<vmem>>, vector<1x16x224x96xf32>
        %swap3A_394 = vector.shape_cast %swap3A_393 : vector<1x16x224x96xf32> to vector<16x224x96xf32>
        %swap3A_395 = vector.shape_cast %add3A_388 : vector<16x224x96xf32> to vector<1x16x224x96xf32>
        tpu.vector_store %arg10[%swap3A_389, %swap3A_390, %swap3A_391, %swap3A_392], %swap3A_395 {strides = array<i32>} : memref<1x16x224x96xf32, #tpu.memory_space<vmem>>, vector<1x16x224x96xf32>,
      } else {
      }
    } else {
    }
    %gt3A_35 = arith.constant 0 : i32
    %gt3A_36 = arith.cmpi sgt, %get3A_4, %gt3A_35 : i32
    %convert_element_type3A_37 = arith.extui %gt3A_36 : i1 to i32
    %cond3A_38 = arith.constant 0 : i32
    %cond3A_39 = arith.cmpi ne, %convert_element_type3A_37, %cond3A_38 : i32
    scf.if %cond3A_39 {
      %get3A_40 = arith.constant 0 : index
      %get3A_41 = arith.constant 1 : index
      %get3A_42 = arith.constant 2 : index
      %get3A_43 = arith.constant 48 : index
      %get3A_44 = vector.load %arg3[%get3A_40, %get3A_41, %get3A_42, %get3A_43] : memref<1x22x232x96xbf16, #tpu.memory_space<vmem>>, vector<1x20x228x48xbf16>
      %get3A_45 = vector.shape_cast %get3A_44 : vector<1x20x228x48xbf16> to vector<20x228x48xbf16>
      %convert_element_type3A_46 = arith.extf %get3A_45 : vector<20x228x48xbf16> to vector<20x228x48xf32>
      %broadcast_in_dim3A = arith.constant 0.000000e+00 : f32
      %broadcast_in_dim3A_47 = vector.broadcast %broadcast_in_dim3A : f32 to vector<16x224x48xf32>
      %slice3A_48 = vector.extract_strided_slice %convert_element_type3A_46 {offsets = [0, 0, 0], sizes = [16, 224, 48], strides = [1, 1, 1]} : vector<20x228x48xf32> to vector<16x224x48xf32>
      %get3A_49 = arith.constant 0 : index
      %get3A_50 = arith.constant 0 : index
      %get3A_51 = vector.load %arg5[%get3A_49, %get3A_50] : memref<25x48xf32, #tpu.memory_space<vmem>>, vector<1x48xf32>
      %reshape3A_52 = vector.shape_cast %get3A_51 : vector<1x48xf32> to vector<1x1x48xf32>
      %mul3A_53 = vector.broadcast %reshape3A_52 : vector<1x1x48xf32> to vector<16x224x48xf32>
      %mul3A_54 = arith.mulf %slice3A_48, %mul3A_53 : vector<16x224x48xf32>
      %add3A_55 = arith.addf %broadcast_in_dim3A_47, %mul3A_54 : vector<16x224x48xf32>
      %slice3A_56 = vector.extract_strided_slice %convert_element_type3A_46 {offsets = [0, 1, 0], sizes = [16, 224, 48], strides = [1, 1, 1]} : vector<20x228x48xf32> to vector<16x224x48xf32>
      %get3A_57 = arith.constant 1 : index
      %get3A_58 = arith.constant 0 : index
      %get3A_59 = vector.load %arg5[%get3A_57, %get3A_58] : memref<25x48xf32, #tpu.memory_space<vmem>>, vector<1x48xf32>
      %reshape3A_60 = vector.shape_cast %get3A_59 : vector<1x48xf32> to vector<1x1x48xf32>
      %mul3A_61 = vector.broadcast %reshape3A_60 : vector<1x1x48xf32> to vector<16x224x48xf32>
      %mul3A_62 = arith.mulf %slice3A_56, %mul3A_61 : vector<16x224x48xf32>
      %add3A_63 = arith.addf %add3A_55, %mul3A_62 : vector<16x224x48xf32>
      %slice3A_64 = vector.extract_strided_slice %convert_element_type3A_46 {offsets = [0, 2, 0], sizes = [16, 224, 48], strides = [1, 1, 1]} : vector<20x228x48xf32> to vector<16x224x48xf32>
      %get3A_65 = arith.constant 2 : index
      %get3A_66 = arith.constant 0 : index
      %get3A_67 = vector.load %arg5[%get3A_65, %get3A_66] : memref<25x48xf32, #tpu.memory_space<vmem>>, vector<1x48xf32>
      %reshape3A_68 = vector.shape_cast %get3A_67 : vector<1x48xf32> to vector<1x1x48xf32>
      %mul3A_69 = vector.broadcast %reshape3A_68 : vector<1x1x48xf32> to vector<16x224x48xf32>
      %mul3A_70 = arith.mulf %slice3A_64, %mul3A_69 : vector<16x224x48xf32>
      %add3A_71 = arith.addf %add3A_63, %mul3A_70 : vector<16x224x48xf32>
      %slice3A_72 = vector.extract_strided_slice %convert_element_type3A_46 {offsets = [0, 3, 0], sizes = [16, 224, 48], strides = [1, 1, 1]} : vector<20x228x48xf32> to vector<16x224x48xf32>
      %get3A_73 = arith.constant 3 : index
      %get3A_74 = arith.constant 0 : index
      %get3A_75 = vector.load %arg5[%get3A_73, %get3A_74] : memref<25x48xf32, #tpu.memory_space<vmem>>, vector<1x48xf32>
      %reshape3A_76 = vector.shape_cast %get3A_75 : vector<1x48xf32> to vector<1x1x48xf32>
      %mul3A_77 = vector.broadcast %reshape3A_76 : vector<1x1x48xf32> to vector<16x224x48xf32>
      %mul3A_78 = arith.mulf %slice3A_72, %mul3A_77 : vector<16x224x48xf32>
      %add3A_79 = arith.addf %add3A_71, %mul3A_78 : vector<16x224x48xf32>
      %slice3A_80 = vector.extract_strided_slice %convert_element_type3A_46 {offsets = [0, 4, 0], sizes = [16, 224, 48], strides = [1, 1, 1]} : vector<20x228x48xf32> to vector<16x224x48xf32>
      %get3A_81 = arith.constant 4 : index
      %get3A_82 = arith.constant 0 : index
      %get3A_83 = vector.load %arg5[%get3A_81, %get3A_82] : memref<25x48xf32, #tpu.memory_space<vmem>>, vector<1x48xf32>
      %reshape3A_84 = vector.shape_cast %get3A_83 : vector<1x48xf32> to vector<1x1x48xf32>
      %mul3A_85 = vector.broadcast %reshape3A_84 : vector<1x1x48xf32> to vector<16x224x48xf32>
      %mul3A_86 = arith.mulf %slice3A_80, %mul3A_85 : vector<16x224x48xf32>
      %add3A_87 = arith.addf %add3A_79, %mul3A_86 : vector<16x224x48xf32>
      %slice3A_88 = vector.extract_strided_slice %convert_element_type3A_46 {offsets = [1, 0, 0], sizes = [16, 224, 48], strides = [1, 1, 1]} : vector<20x228x48xf32> to vector<16x224x48xf32>
      %get3A_89 = arith.constant 5 : index
      %get3A_90 = arith.constant 0 : index
      %get3A_91 = vector.load %arg5[%get3A_89, %get3A_90] : memref<25x48xf32, #tpu.memory_space<vmem>>, vector<1x48xf32>
      %reshape3A_92 = vector.shape_cast %get3A_91 : vector<1x48xf32> to vector<1x1x48xf32>
      %mul3A_93 = vector.broadcast %reshape3A_92 : vector<1x1x48xf32> to vector<16x224x48xf32>
      %mul3A_94 = arith.mulf %slice3A_88, %mul3A_93 : vector<16x224x48xf32>
      %add3A_95 = arith.addf %add3A_87, %mul3A_94 : vector<16x224x48xf32>
      %slice3A_96 = vector.extract_strided_slice %convert_element_type3A_46 {offsets = [1, 1, 0], sizes = [16, 224, 48], strides = [1, 1, 1]} : vector<20x228x48xf32> to vector<16x224x48xf32>
      %get3A_97 = arith.constant 6 : index
      %get3A_98 = arith.constant 0 : index
      %get3A_99 = vector.load %arg5[%get3A_97, %get3A_98] : memref<25x48xf32, #tpu.memory_space<vmem>>, vector<1x48xf32>
      %reshape3A_100 = vector.shape_cast %get3A_99 : vector<1x48xf32> to vector<1x1x48xf32>
      %mul3A_101 = vector.broadcast %reshape3A_100 : vector<1x1x48xf32> to vector<16x224x48xf32>
      %mul3A_102 = arith.mulf %slice3A_96, %mul3A_101 : vector<16x224x48xf32>
      %add3A_103 = arith.addf %add3A_95, %mul3A_102 : vector<16x224x48xf32>
      %slice3A_104 = vector.extract_strided_slice %convert_element_type3A_46 {offsets = [1, 2, 0], sizes = [16, 224, 48], strides = [1, 1, 1]} : vector<20x228x48xf32> to vector<16x224x48xf32>
      %get3A_105 = arith.constant 7 : index
      %get3A_106 = arith.constant 0 : index
      %get3A_107 = vector.load %arg5[%get3A_105, %get3A_106] : memref<25x48xf32, #tpu.memory_space<vmem>>, vector<1x48xf32>
      %reshape3A_108 = vector.shape_cast %get3A_107 : vector<1x48xf32> to vector<1x1x48xf32>
      %mul3A_109 = vector.broadcast %reshape3A_108 : vector<1x1x48xf32> to vector<16x224x48xf32>
      %mul3A_110 = arith.mulf %slice3A_104, %mul3A_109 : vector<16x224x48xf32>
      %add3A_111 = arith.addf %add3A_103, %mul3A_110 : vector<16x224x48xf32>
      %slice3A_112 = vector.extract_strided_slice %convert_element_type3A_46 {offsets = [1, 3, 0], sizes = [16, 224, 48], strides = [1, 1, 1]} : vector<20x228x48xf32> to vector<16x224x48xf32>
      %get3A_113 = arith.constant 8 : index
      %get3A_114 = arith.constant 0 : index
      %get3A_115 = vector.load %arg5[%get3A_113, %get3A_114] : memref<25x48xf32, #tpu.memory_space<vmem>>, vector<1x48xf32>
      %reshape3A_116 = vector.shape_cast %get3A_115 : vector<1x48xf32> to vector<1x1x48xf32>
      %mul3A_117 = vector.broadcast %reshape3A_116 : vector<1x1x48xf32> to vector<16x224x48xf32>
      %mul3A_118 = arith.mulf %slice3A_112, %mul3A_117 : vector<16x224x48xf32>
      %add3A_119 = arith.addf %add3A_111, %mul3A_118 : vector<16x224x48xf32>
      %slice3A_120 = vector.extract_strided_slice %convert_element_type3A_46 {offsets = [1, 4, 0], sizes = [16, 224, 48], strides = [1, 1, 1]} : vector<20x228x48xf32> to vector<16x224x48xf32>
      %get3A_121 = arith.constant 9 : index
      %get3A_122 = arith.constant 0 : index
      %get3A_123 = vector.load %arg5[%get3A_121, %get3A_122] : memref<25x48xf32, #tpu.memory_space<vmem>>, vector<1x48xf32>
      %reshape3A_124 = vector.shape_cast %get3A_123 : vector<1x48xf32> to vector<1x1x48xf32>
      %mul3A_125 = vector.broadcast %reshape3A_124 : vector<1x1x48xf32> to vector<16x224x48xf32>
      %mul3A_126 = arith.mulf %slice3A_120, %mul3A_125 : vector<16x224x48xf32>
      %add3A_127 = arith.addf %add3A_119, %mul3A_126 : vector<16x224x48xf32>
      %slice3A_128 = vector.extract_strided_slice %convert_element_type3A_46 {offsets = [2, 0, 0], sizes = [16, 224, 48], strides = [1, 1, 1]} : vector<20x228x48xf32> to vector<16x224x48xf32>
      %get3A_129 = arith.constant 10 : index
      %get3A_130 = arith.constant 0 : index
      %get3A_131 = vector.load %arg5[%get3A_129, %get3A_130] : memref<25x48xf32, #tpu.memory_space<vmem>>, vector<1x48xf32>
      %reshape3A_132 = vector.shape_cast %get3A_131 : vector<1x48xf32> to vector<1x1x48xf32>
      %mul3A_133 = vector.broadcast %reshape3A_132 : vector<1x1x48xf32> to vector<16x224x48xf32>
      %mul3A_134 = arith.mulf %slice3A_128, %mul3A_133 : vector<16x224x48xf32>
      %add3A_135 = arith.addf %add3A_127, %mul3A_134 : vector<16x224x48xf32>
      %slice3A_136 = vector.extract_strided_slice %convert_element_type3A_46 {offsets = [2, 1, 0], sizes = [16, 224, 48], strides = [1, 1, 1]} : vector<20x228x48xf32> to vector<16x224x48xf32>
      %get3A_137 = arith.constant 11 : index
      %get3A_138 = arith.constant 0 : index
      %get3A_139 = vector.load %arg5[%get3A_137, %get3A_138] : memref<25x48xf32, #tpu.memory_space<vmem>>, vector<1x48xf32>
      %reshape3A_140 = vector.shape_cast %get3A_139 : vector<1x48xf32> to vector<1x1x48xf32>
      %mul3A_141 = vector.broadcast %reshape3A_140 : vector<1x1x48xf32> to vector<16x224x48xf32>
      %mul3A_142 = arith.mulf %slice3A_136, %mul3A_141 : vector<16x224x48xf32>
      %add3A_143 = arith.addf %add3A_135, %mul3A_142 : vector<16x224x48xf32>
      %slice3A_144 = vector.extract_strided_slice %convert_element_type3A_46 {offsets = [2, 2, 0], sizes = [16, 224, 48], strides = [1, 1, 1]} : vector<20x228x48xf32> to vector<16x224x48xf32>
      %get3A_145 = arith.constant 12 : index
      %get3A_146 = arith.constant 0 : index
      %get3A_147 = vector.load %arg5[%get3A_145, %get3A_146] : memref<25x48xf32, #tpu.memory_space<vmem>>, vector<1x48xf32>
      %reshape3A_148 = vector.shape_cast %get3A_147 : vector<1x48xf32> to vector<1x1x48xf32>
      %mul3A_149 = vector.broadcast %reshape3A_148 : vector<1x1x48xf32> to vector<16x224x48xf32>
      %mul3A_150 = arith.mulf %slice3A_144, %mul3A_149 : vector<16x224x48xf32>
      %add3A_151 = arith.addf %add3A_143, %mul3A_150 : vector<16x224x48xf32>
      %slice3A_152 = vector.extract_strided_slice %convert_element_type3A_46 {offsets = [2, 3, 0], sizes = [16, 224, 48], strides = [1, 1, 1]} : vector<20x228x48xf32> to vector<16x224x48xf32>
      %get3A_153 = arith.constant 13 : index
      %get3A_154 = arith.constant 0 : index
      %get3A_155 = vector.load %arg5[%get3A_153, %get3A_154] : memref<25x48xf32, #tpu.memory_space<vmem>>, vector<1x48xf32>
      %reshape3A_156 = vector.shape_cast %get3A_155 : vector<1x48xf32> to vector<1x1x48xf32>
      %mul3A_157 = vector.broadcast %reshape3A_156 : vector<1x1x48xf32> to vector<16x224x48xf32>
      %mul3A_158 = arith.mulf %slice3A_152, %mul3A_157 : vector<16x224x48xf32>
      %add3A_159 = arith.addf %add3A_151, %mul3A_158 : vector<16x224x48xf32>
      %slice3A_160 = vector.extract_strided_slice %convert_element_type3A_46 {offsets = [2, 4, 0], sizes = [16, 224, 48], strides = [1, 1, 1]} : vector<20x228x48xf32> to vector<16x224x48xf32>
      %get3A_161 = arith.constant 14 : index
      %get3A_162 = arith.constant 0 : index
      %get3A_163 = vector.load %arg5[%get3A_161, %get3A_162] : memref<25x48xf32, #tpu.memory_space<vmem>>, vector<1x48xf32>
      %reshape3A_164 = vector.shape_cast %get3A_163 : vector<1x48xf32> to vector<1x1x48xf32>
      %mul3A_165 = vector.broadcast %reshape3A_164 : vector<1x1x48xf32> to vector<16x224x48xf32>
      %mul3A_166 = arith.mulf %slice3A_160, %mul3A_165 : vector<16x224x48xf32>
      %add3A_167 = arith.addf %add3A_159, %mul3A_166 : vector<16x224x48xf32>
      %slice3A_168 = vector.extract_strided_slice %convert_element_type3A_46 {offsets = [3, 0, 0], sizes = [16, 224, 48], strides = [1, 1, 1]} : vector<20x228x48xf32> to vector<16x224x48xf32>
      %get3A_169 = arith.constant 15 : index
      %get3A_170 = arith.constant 0 : index
      %get3A_171 = vector.load %arg5[%get3A_169, %get3A_170] : memref<25x48xf32, #tpu.memory_space<vmem>>, vector<1x48xf32>
      %reshape3A_172 = vector.shape_cast %get3A_171 : vector<1x48xf32> to vector<1x1x48xf32>
      %mul3A_173 = vector.broadcast %reshape3A_172 : vector<1x1x48xf32> to vector<16x224x48xf32>
      %mul3A_174 = arith.mulf %slice3A_168, %mul3A_173 : vector<16x224x48xf32>
      %add3A_175 = arith.addf %add3A_167, %mul3A_174 : vector<16x224x48xf32>
      %slice3A_176 = vector.extract_strided_slice %convert_element_type3A_46 {offsets = [3, 1, 0], sizes = [16, 224, 48], strides = [1, 1, 1]} : vector<20x228x48xf32> to vector<16x224x48xf32>
      %get3A_177 = arith.constant 16 : index
      %get3A_178 = arith.constant 0 : index
      %get3A_179 = vector.load %arg5[%get3A_177, %get3A_178] : memref<25x48xf32, #tpu.memory_space<vmem>>, vector<1x48xf32>
      %reshape3A_180 = vector.shape_cast %get3A_179 : vector<1x48xf32> to vector<1x1x48xf32>
      %mul3A_181 = vector.broadcast %reshape3A_180 : vector<1x1x48xf32> to vector<16x224x48xf32>
      %mul3A_182 = arith.mulf %slice3A_176, %mul3A_181 : vector<16x224x48xf32>
      %add3A_183 = arith.addf %add3A_175, %mul3A_182 : vector<16x224x48xf32>
      %slice3A_184 = vector.extract_strided_slice %convert_element_type3A_46 {offsets = [3, 2, 0], sizes = [16, 224, 48], strides = [1, 1, 1]} : vector<20x228x48xf32> to vector<16x224x48xf32>
      %get3A_185 = arith.constant 17 : index
      %get3A_186 = arith.constant 0 : index
      %get3A_187 = vector.load %arg5[%get3A_185, %get3A_186] : memref<25x48xf32, #tpu.memory_space<vmem>>, vector<1x48xf32>
      %reshape3A_188 = vector.shape_cast %get3A_187 : vector<1x48xf32> to vector<1x1x48xf32>
      %mul3A_189 = vector.broadcast %reshape3A_188 : vector<1x1x48xf32> to vector<16x224x48xf32>
      %mul3A_190 = arith.mulf %slice3A_184, %mul3A_189 : vector<16x224x48xf32>
      %add3A_191 = arith.addf %add3A_183, %mul3A_190 : vector<16x224x48xf32>
      %slice3A_192 = vector.extract_strided_slice %convert_element_type3A_46 {offsets = [3, 3, 0], sizes = [16, 224, 48], strides = [1, 1, 1]} : vector<20x228x48xf32> to vector<16x224x48xf32>
      %get3A_193 = arith.constant 18 : index
      %get3A_194 = arith.constant 0 : index
      %get3A_195 = vector.load %arg5[%get3A_193, %get3A_194] : memref<25x48xf32, #tpu.memory_space<vmem>>, vector<1x48xf32>
      %reshape3A_196 = vector.shape_cast %get3A_195 : vector<1x48xf32> to vector<1x1x48xf32>
      %mul3A_197 = vector.broadcast %reshape3A_196 : vector<1x1x48xf32> to vector<16x224x48xf32>
      %mul3A_198 = arith.mulf %slice3A_192, %mul3A_197 : vector<16x224x48xf32>
      %add3A_199 = arith.addf %add3A_191, %mul3A_198 : vector<16x224x48xf32>
      %slice3A_200 = vector.extract_strided_slice %convert_element_type3A_46 {offsets = [3, 4, 0], sizes = [16, 224, 48], strides = [1, 1, 1]} : vector<20x228x48xf32> to vector<16x224x48xf32>
      %get3A_201 = arith.constant 19 : index
      %get3A_202 = arith.constant 0 : index
      %get3A_203 = vector.load %arg5[%get3A_201, %get3A_202] : memref<25x48xf32, #tpu.memory_space<vmem>>, vector<1x48xf32>
      %reshape3A_204 = vector.shape_cast %get3A_203 : vector<1x48xf32> to vector<1x1x48xf32>
      %mul3A_205 = vector.broadcast %reshape3A_204 : vector<1x1x48xf32> to vector<16x224x48xf32>
      %mul3A_206 = arith.mulf %slice3A_200, %mul3A_205 : vector<16x224x48xf32>
      %add3A_207 = arith.addf %add3A_199, %mul3A_206 : vector<16x224x48xf32>
      %slice3A_208 = vector.extract_strided_slice %convert_element_type3A_46 {offsets = [4, 0, 0], sizes = [16, 224, 48], strides = [1, 1, 1]} : vector<20x228x48xf32> to vector<16x224x48xf32>
      %get3A_209 = arith.constant 20 : index
      %get3A_210 = arith.constant 0 : index
      %get3A_211 = vector.load %arg5[%get3A_209, %get3A_210] : memref<25x48xf32, #tpu.memory_space<vmem>>, vector<1x48xf32>
      %reshape3A_212 = vector.shape_cast %get3A_211 : vector<1x48xf32> to vector<1x1x48xf32>
      %mul3A_213 = vector.broadcast %reshape3A_212 : vector<1x1x48xf32> to vector<16x224x48xf32>
      %mul3A_214 = arith.mulf %slice3A_208, %mul3A_213 : vector<16x224x48xf32>
      %add3A_215 = arith.addf %add3A_207, %mul3A_214 : vector<16x224x48xf32>
      %slice3A_216 = vector.extract_strided_slice %convert_element_type3A_46 {offsets = [4, 1, 0], sizes = [16, 224, 48], strides = [1, 1, 1]} : vector<20x228x48xf32> to vector<16x224x48xf32>
      %get3A_217 = arith.constant 21 : index
      %get3A_218 = arith.constant 0 : index
      %get3A_219 = vector.load %arg5[%get3A_217, %get3A_218] : memref<25x48xf32, #tpu.memory_space<vmem>>, vector<1x48xf32>
      %reshape3A_220 = vector.shape_cast %get3A_219 : vector<1x48xf32> to vector<1x1x48xf32>
      %mul3A_221 = vector.broadcast %reshape3A_220 : vector<1x1x48xf32> to vector<16x224x48xf32>
      %mul3A_222 = arith.mulf %slice3A_216, %mul3A_221 : vector<16x224x48xf32>
      %add3A_223 = arith.addf %add3A_215, %mul3A_222 : vector<16x224x48xf32>
      %slice3A_224 = vector.extract_strided_slice %convert_element_type3A_46 {offsets = [4, 2, 0], sizes = [16, 224, 48], strides = [1, 1, 1]} : vector<20x228x48xf32> to vector<16x224x48xf32>
      %get3A_225 = arith.constant 22 : index
      %get3A_226 = arith.constant 0 : index
      %get3A_227 = vector.load %arg5[%get3A_225, %get3A_226] : memref<25x48xf32, #tpu.memory_space<vmem>>, vector<1x48xf32>
      %reshape3A_228 = vector.shape_cast %get3A_227 : vector<1x48xf32> to vector<1x1x48xf32>
      %mul3A_229 = vector.broadcast %reshape3A_228 : vector<1x1x48xf32> to vector<16x224x48xf32>
      %mul3A_230 = arith.mulf %slice3A_224, %mul3A_229 : vector<16x224x48xf32>
      %add3A_231 = arith.addf %add3A_223, %mul3A_230 : vector<16x224x48xf32>
      %slice3A_232 = vector.extract_strided_slice %convert_element_type3A_46 {offsets = [4, 3, 0], sizes = [16, 224, 48], strides = [1, 1, 1]} : vector<20x228x48xf32> to vector<16x224x48xf32>
      %get3A_233 = arith.constant 23 : index
      %get3A_234 = arith.constant 0 : index
      %get3A_235 = vector.load %arg5[%get3A_233, %get3A_234] : memref<25x48xf32, #tpu.memory_space<vmem>>, vector<1x48xf32>
      %reshape3A_236 = vector.shape_cast %get3A_235 : vector<1x48xf32> to vector<1x1x48xf32>
      %mul3A_237 = vector.broadcast %reshape3A_236 : vector<1x1x48xf32> to vector<16x224x48xf32>
      %mul3A_238 = arith.mulf %slice3A_232, %mul3A_237 : vector<16x224x48xf32>
      %add3A_239 = arith.addf %add3A_231, %mul3A_238 : vector<16x224x48xf32>
      %slice3A_240 = vector.extract_strided_slice %convert_element_type3A_46 {offsets = [4, 4, 0], sizes = [16, 224, 48], strides = [1, 1, 1]} : vector<20x228x48xf32> to vector<16x224x48xf32>
      %get3A_241 = arith.constant 24 : index
      %get3A_242 = arith.constant 0 : index
      %get3A_243 = vector.load %arg5[%get3A_241, %get3A_242] : memref<25x48xf32, #tpu.memory_space<vmem>>, vector<1x48xf32>
      %reshape3A_244 = vector.shape_cast %get3A_243 : vector<1x48xf32> to vector<1x1x48xf32>
      %mul3A_245 = vector.broadcast %reshape3A_244 : vector<1x1x48xf32> to vector<16x224x48xf32>
      %mul3A_246 = arith.mulf %slice3A_240, %mul3A_245 : vector<16x224x48xf32>
      %add3A_247 = arith.addf %add3A_239, %mul3A_246 : vector<16x224x48xf32>
      %convert_element_type3A_248 = arith.truncf %add3A_247 : vector<16x224x48xf32> to vector<16x224x48xbf16>
      %reshape3A_249 = vector.shape_cast %convert_element_type3A_248 : vector<16x224x48xbf16> to vector<3584x48xbf16>
      %get3A_250 = arith.constant 0 : index
      %get3A_251 = arith.constant 0 : index
      %get3A_252 = vector.load %arg6[%get3A_250, %get3A_251] : memref<48x96xbf16, #tpu.memory_space<vmem>>, vector<48x96xbf16>
      %dot_general3A = arith.constant dense<0.000000e+00> : vector<3584x96xf32>
      %dot_general3A_253 = tpu.matmul %reshape3A_249, %get3A_252, %dot_general3A {dimension_numbers = #tpu.dot_dimension_numbers<[1], [0], [0], [1], [0, 0, 1, 1], [], []>, transpose_lhs_hint = false} : vector<3584x48xbf16>, vector<48x96xbf16>, vector<3584x96xf32> -> vector<3584x96xf32>
      %reshape3A_254 = vector.shape_cast %dot_general3A_253 : vector<3584x96xf32> to vector<16x224x96xf32>
      %get3A_255 = arith.constant 1 : index
      %get3A_256 = arith.constant 0 : index
      %get3A_257 = vector.load %arg8[%get3A_255, %get3A_256] : memref<4x96xf32, #tpu.memory_space<vmem>>, vector<1x96xf32>
      %reshape3A_258 = vector.shape_cast %get3A_257 : vector<1x96xf32> to vector<1x1x96xf32>
      %add3A_259 = vector.broadcast %reshape3A_258 : vector<1x1x96xf32> to vector<16x224x96xf32>
      %add3A_260 = arith.addf %reshape3A_254, %add3A_259 : vector<16x224x96xf32>
      %get3A_261 = arith.constant 0 : index
      %get3A_262 = arith.constant 0 : index
      %get3A_263 = arith.constant 0 : index
      %get3A_264 = arith.constant 0 : index
      %get3A_265 = vector.load %arg10[%get3A_261, %get3A_262, %get3A_263, %get3A_264] : memref<1x16x224x96xf32, #tpu.memory_space<vmem>>, vector<1x16x224x96xf32>
      %get3A_266 = vector.shape_cast %get3A_265 : vector<1x16x224x96xf32> to vector<16x224x96xf32>
      %logistic3A = arith.negf %add3A_260 : vector<16x224x96xf32>
      %logistic3A_267 = math.exp %logistic3A : vector<16x224x96xf32>
      %logistic3A_268 = arith.constant 1.000000e+00 : f32
      %logistic3A_269 = vector.broadcast %logistic3A_268 : f32 to vector<16x224x96xf32>
      %logistic3A_270 = arith.addf %logistic3A_269, %logistic3A_267 : vector<16x224x96xf32>
      %logistic3A_271 = arith.divf %logistic3A_269, %logistic3A_270 : vector<16x224x96xf32>
      %mul3A_272 = arith.mulf %add3A_260, %logistic3A_271 : vector<16x224x96xf32>
      %slice3A_273 = vector.extract_strided_slice %get3A_12 {offsets = [1, 0], sizes = [1, 96], strides = [1, 1]} : vector<4x96xf32> to vector<1x96xf32>
      %reshape3A_274 = vector.shape_cast %slice3A_273 : vector<1x96xf32> to vector<1x1x96xf32>
      %mul3A_275 = vector.broadcast %reshape3A_274 : vector<1x1x96xf32> to vector<16x224x96xf32>
      %mul3A_276 = arith.mulf %mul3A_272, %mul3A_275 : vector<16x224x96xf32>
      %add3A_277 = arith.addf %get3A_266, %mul3A_276 : vector<16x224x96xf32>
      %swap3A_278 = arith.constant 0 : index
      %swap3A_279 = arith.constant 0 : index
      %swap3A_280 = arith.constant 0 : index
      %swap3A_281 = arith.constant 0 : index
      %swap3A_282 = vector.load %arg10[%swap3A_278, %swap3A_279, %swap3A_280, %swap3A_281] : memref<1x16x224x96xf32, #tpu.memory_space<vmem>>, vector<1x16x224x96xf32>
      %swap3A_283 = vector.shape_cast %swap3A_282 : vector<1x16x224x96xf32> to vector<16x224x96xf32>
      %swap3A_284 = vector.shape_cast %add3A_277 : vector<16x224x96xf32> to vector<1x16x224x96xf32>
      tpu.vector_store %arg10[%swap3A_278, %swap3A_279, %swap3A_280, %swap3A_281], %swap3A_284 {strides = array<i32>} : memref<1x16x224x96xf32, #tpu.memory_space<vmem>>, vector<1x16x224x96xf32>,
    } else {
    }
    return
  }
  func.func @transform_0(%arg0: i32, %arg1: i32, %arg2: memref<2x4xi32, #tpu.memory_space<smem>>) -> (i32, i32, i32, i32) {
    %mul3A = arith.constant 16 : i32
    %mul3A_0 = arith.muli %arg1, %mul3A : i32
    %c0_i32 = arith.constant 0 : i32
    %c0_i32_1 = arith.constant 0 : i32
    %c0_i32_2 = arith.constant 0 : i32
    return %arg0, %mul3A_0, %c0_i32, %c0_i32_1 : i32, i32, i32, i32
  }
  func.func @transform_1(%arg0: i32, %arg1: i32, %arg2: memref<2x4xi32, #tpu.memory_space<smem>>) -> (i32, i32) {
    %c0_i32 = arith.constant 0 : i32
    %c0_i32_0 = arith.constant 0 : i32
    %c0_i32_1 = arith.constant 0 : i32
    return %c0_i32, %c0_i32_0 : i32, i32
  }
  func.func @transform_2(%arg0: i32, %arg1: i32, %arg2: memref<2x4xi32, #tpu.memory_space<smem>>) -> (i32, i32) {
    %c0_i32 = arith.constant 0 : i32
    %c0_i32_0 = arith.constant 0 : i32
    %c0_i32_1 = arith.constant 0 : i32
    return %c0_i32, %c0_i32_0 : i32, i32
  }
  func.func @transform_3(%arg0: i32, %arg1: i32, %arg2: memref<2x4xi32, #tpu.memory_space<smem>>) -> (i32, i32) {
    %c0_i32 = arith.constant 0 : i32
    %c0_i32_0 = arith.constant 0 : i32
    %c0_i32_1 = arith.constant 0 : i32
    return %c0_i32, %c0_i32_0 : i32, i32
  }
  func.func @transform_4(%arg0: i32, %arg1: i32, %arg2: memref<2x4xi32, #tpu.memory_space<smem>>) -> (i32, i32) {
    %c0_i32 = arith.constant 0 : i32
    %c0_i32_0 = arith.constant 0 : i32
    %c0_i32_1 = arith.constant 0 : i32
    return %c0_i32, %c0_i32_0 : i32, i32
  }
  func.func @transform_5(%arg0: i32, %arg1: i32, %arg2: memref<2x4xi32, #tpu.memory_space<smem>>) -> (i32, i32) {
    %c0_i32 = arith.constant 0 : i32
    %c0_i32_0 = arith.constant 0 : i32
    %c0_i32_1 = arith.constant 0 : i32
    return %c0_i32, %c0_i32_0 : i32, i32
  }
  func.func @transform_6(%arg0: i32, %arg1: i32, %arg2: memref<2x4xi32, #tpu.memory_space<smem>>) -> (i32, i32, i32) {
    %c0_i32 = arith.constant 0 : i32
    %c0_i32_0 = arith.constant 0 : i32
    %c0_i32_1 = arith.constant 0 : i32
    return %arg0, %c0_i32, %c0_i32_0 : i32, i32, i32
  }
  func.func @transform_7(%arg0: i32, %arg1: i32, %arg2: memref<2x4xi32, #tpu.memory_space<smem>>) -> (i32, i32, i32, i32) {
    %c0_i32 = arith.constant 0 : i32
    %c0_i32_0 = arith.constant 0 : i32
    %c0_i32_1 = arith.constant 0 : i32
    return %arg0, %arg1, %c0_i32, %c0_i32_0 : i32, i32, i32, i32
  }
}

</mosaic_0001>

<sc_bundles>
// kernel: sparse-core-data-format-call.cloned.1.call-start
scs
called_computation_lowered:
.L_overlay_start_0:
0x0: {  	s2 =	sld [smem:$0x3FD9]  }
0x1: {  	s3 =	sld [smem:$0x3FFE];
	_ =	sdelay $0x1  }
0x2: {  	s1 =	srdreg.scid  }
0x3: {  	s0 =	sand.u32 $0x1, s1  }
0x4: {  	s18 =	sshll.u32 s0, $0xA;
	s2 =	sadd.s32 s3, s2  }
0x5: {  	s2 =	sadd.s32 s2, s18  }
0x6: {  	[smem:$0x3FB0] =	sst s2  }
0x7: {  	_ = 	snop  }
0x8: {  	s2 =	sld [smem:$0x3FD0];
	(tm) =	ssettm $0x1  }
0x9: {  	s19 =	sld [smem:$0x3FFB];
	_ =	sdelay $0x3  }
0xa: {  	_ =	strace s19  }
0xb: {  	s3 =	sld [smem:$0x3FFC];
	_ =	sdelay $0x3  }
0xc: {  	_ =	strace s3  }
0xd: {  	s3 =	sld [smem:$0x3FFD];
	_ =	sdelay $0x3  }
0xe: {  	_ =	strace s3  }
0xf: {  	_ =	strace $0x8FFFFFFF  }
0x10: {  	s20 =	sld [smem:$0x3FDB];
	_ =	sdelay $0x1  }
0x11: {  	s4 =	simm.s32 $_scs_section_size  }
0x12: {  	s5 =	simm.s32 $_size__tile_overlayer_lowered;
	s6 =	simm.s32 $_tile_overlayer_lowered  }
0x13: {  	s23 =	simm.s32 $0x1BFF;
	s22 =	sshll.u32 s6, $0x1;
	s3 =	sadd.s32 s4, s20  }
0x14: {  	s7 =	simm.s32 $0x0;
	s21 =	sshll.u32 s5, $0x1;
	s5 =	sadd.s32 s22, s3  }
0x15: {  	[timem:s7], [sflag:s23] =	dma.local [hbm:s5], s21  }
0x16: {  	_ =	swait.ge [sflag:s23], s21  }
0x17: {  	s4 =	ssub.s32 $0x0, s21;
	[sflag:s23] =	ssyncset.done $0x0  }
0x18: {  	[sflag:s23] =	ssyncadd.s32 s4;
	_ =	sdelay $0x1  }
0x19: {  	s24 =	simm.s32 $0x1B8B  }
0x1a: {  	_ =	swait.ge [sflag:s24], $0x1  }
0x1b: {  	[sflag:s24] =	ssyncset.done $0x0  }
0x1c: {  	s26 =	simm.s32 $0x1B8E;
	s25 =	sld [smem:$0x3FFE];
	[sflag:s24] =	ssyncadd.s32 $0xFFFFFFFF  }
0x1d: {  	s27 =	simm.s32 $execute0_lowered;
	[smem:$0x3FD2] =	sst s26  }
0x1e: {  	s5 =	sshll.u32 s27, $0x1;
	_ =	strace $0x80000046;
	[dreg:$0x1] =	wrdreg $0xFFFFFFFF  }
0x1f: {  	s28 =	simm.s32 $_size_execute0_lowered;
	s3 =	sadd.s32 s3, s5;
	[dreg:$0x0] =	wrdreg $0x0  }
0x20: {  	s5 =	sshll.u32 s28, $0x1;
	[dreg:$0x2] =	wrdreg s3  }
0x21: {  	[dreg:$0x3] =	wrdreg s5  }
0x22: {  	[dreg:$0x4] =	wrdreg $0xC0  }
0x23: {  	_ =	task [dreg:s7], $0x5FFFF  }
0x24: {  	[dreg:$0x1] =	wrdreg $0xFFFFFFFF  }
0x25: {  	[dreg:$0x0] =	wrdreg $0x60  }
0x26: {  	[dreg:$0x2] =	wrdreg s25  }
0x27: {  	[dreg:$0x3] =	wrdreg s2  }
0x28: {  	[dreg:$0x4] =	wrdreg $0x9  }
0x29: {  	_ =	task.clear_ibuf [dreg:s7], $0x5FFFF;
	_ =	strace $0x90000046  }
0x2a: {  	s29 =	simm.s32 $0x9;
	_ =	strace $0x80000048  }
0x2b: {  	_ =	swait.ge [sflag:s29], $0x1  }
0x2c: {  	[sflag:s29] =	ssyncadd.s32 $0xFFFFFFFF  }
0x2d: {  	_ =	strace $0x90000048  }
0x2e: {  	_ =	sfence  }
0x2f: {  	s30 =	sld [smem:$0x0];
	_ =	sdelay $0x2  }
0x30: {  	s31 =	sshll.u32 s1, $0xD;
	s1 =	sshrl.u32 s1, $0x2  }
0x31: {  	s3 =	sand.u32 $0x4000, s31;
	s1 =	sadd.s32 s1, s30  }
0x32: {  	s0 =	sor.u32 s3, s0;
	s1 =	sshll.u32 s1, $0x11  }
0x33: {  	s0 =	sor.u32 s1, s0  }
0x34: {  	s0 =	sadd.s32 $0x8F2B, s0  }
0x35: {  	[sflag:s0] =	ssyncadd.remote.s32 $0x1  }
0x36: {  	_ =	sfence.sel $0xFFFF  }
0x37: {  	[dreg:$0x0] =	wrdreg $0xFFFFFFFF;
	(pc) =	sbr.abs _section_cstart, $3  }
0x38: {  	[dreg:$0x1] =	wrdreg $0xFFFFFFFF  }
0x39: {  	_ =	task.clear_ibuf [dreg:s7], $0x2FFFF;
	_ =	strace $0x9FFFFFFF  }
0x3a: {  	(tm) =	ssettm $0x7FFFFFFF  }
0x3b: {  	_ =	shalt  }
tec
execute0_lowered:
.L_overlay_start_1:
0x0: {  	(tag) =	ssettag $0x1  }
0x1: {  	s0 =	rddreg [dreg:$0x0];
	s4 =	stileid.u32;
	_ =	strace $0x80000047  }
0x2: {  	s2 =	srdreg.scid;
	s30 =	simm.s32 $0x1;
	s31 =	simm.s32 $0x2  }
0x3: {  	s18 =	simm.s32 $0x0;
	s19 =	simm.s32 $0x0;
	s20 =	simm.s32 $0x0  }
0x4: {  	s10 =	simm.s32 $0x0;
	s11 =	simm.s32 $0x0;
	s17 =	simm.s32 $0x0  }
0x5: {  	s12 =	simm.s32 $0x0;
	s6 =	sand.u32 $0x1, s4;
	s29 =	sshll.u32 s2, $0x4  }
0x6: {  	s7 =	sadd.s32 $0x800, s0;
	s1 =	ssub.s32 $0x2, s6;
	s0 =	sand.u32 $0x10, s29  }
0x7: {  	[dreg:$0x3] =	wrdreg s6;
	s3 =	sshrl.u32 s1, $0x1;
	s1 =	sand.u32 $0x1, s1  }
.Ltmp0:
0x8: {  	s0 =	sor.u32 s4, s0;
	s1 =	sadd.s32 s1, s3;
	(pc) =	sbr.rel .LBB1_1-.Ltmp0, $4  }
0x9: {  	[dreg:$0x4] =	wrdreg s7;
	s9 =	sshrl.u32 s0, $0x1;
	s8 =	smul.u32 $0x1C, s1  }
0xa: {  	s16 =	simm.s32 $0x0;
	[sflag:s30] =	ssyncpa.u1 $0x0;
	[dreg:$0x6] =	wrdreg s9  }
0xb: {  	[sflag:s31] =	ssyncpa.u1 $0x0;
	s13 =	sor.u32 $0x1, s8;
	[dreg:$0x5] =	wrdreg s8  }
0xc: {  	s15 =	smov.u32 s6;
	s14 =	smov.u32 s9;
	[dreg:$0x7] =	wrdreg s13  }
.LBB1_13:
0xd: {  	s4 =	rddreg [dreg:$0xd]  }
0xe: {  	s23 =	rddreg [dreg:$0xc]  }
0xf: {  	s17 =	rddreg [dreg:$0x8]  }
0x10: {  	s26 =	rddreg [dreg:$0x1]  }
0x11: {  	s29 =	rddreg [dreg:$0xe]  }
0x12: {  	s0 =	sshll.u32 s11, $0x8;
	s1 =	sshll.u32 s10, $0x3;
	s6 =	rddreg [dreg:$0x3]  }
0x13: {  	p0 =	sgt.s32 s10, $0x80;
	s2 =	smov.u32 s10;
	s7 =	rddreg [dreg:$0x4]  }
0x14: {  	s3 =	sshll.u32 s11, $0x7;
	s24 =	sand.u32 $0x78, s10;
	s8 =	rddreg [dreg:$0x5]  }
0x15: {  	s27 =	sand.u32 $0x7, s10;
	s31 =	simm.s32 $0xE000;
	s9 =	rddreg [dreg:$0x6]  }
0x16: {  	s0 =	sand.u32 $0xFFFFF800, s0;
	s1 =	sand.u32 $0xFFFFFC00, s1;
	s2 =	simm.s32 @!p0 $0x80  }
0x17: {  	s20 =	sand.u32 $0x300, s3;
	s0 =	sadd.s32 s0, s1;
	s2 =	sadd.s32 s4, s2  }
0x18: {  	s5 =	smul.u32 $0xA8000, s17;
	s0 =	sor.u32 s20, s0;
	s21 =	sadd.s32 $0xFFFFFF80, s2  }
0x19: {  	s1 =	ssub.s32 $0x100, s2;
	s0 =	sshrl.u32 s0, $0x8;
	p0 =	sgt.s32 s21, $0x7F  }
0x1a: {  	s13 =	rddreg [dreg:$0x7];
	s22 =	smulhi.u32 $0x124924A, s0;
	s1 =	simm.s32 @p0 $0x0  }
0x1b: {  	s18 =	rddreg [dreg:$0x9];
	s3 =	sand.u32 $0x80, s3;
	s1 =	smul.u32 s1, s23  }
0x1c: {  	s19 =	rddreg [dreg:$0xa];
	s3 =	sor.u32 s24, s3;
	s2 =	smul.u32 $0xE0, s22  }
0x1d: {  	s28 =	sshll.u32 s27, $0x12;
	s4 =	sor.u32 $0x8000, s29;
	s25 =	sshrl.u32 s3, $0x3  }
0x1e: {  	s3 =	sadd.s32 s26, s5;
	s1 =	smul.u32 $0x60, s1;
	s0 =	ssub.s32 s0, s2  }
0x1f: {  	s30 =	sor.u32 $0x80, s28;
	s2 =	sadd.s32 s25, s3;
	s0 =	sshll.u32 s0, $0x5  }
0x20: {  	s20 =	rddreg [dreg:$0xb];
	s1 =	sand.u32 $0x3FFFFFE0, s1;
	s0 =	sadd.s32 s0, s2  }
0x21: {  	[hbm4b:s0+s30] =	stream.strided.scatter [tilespmem:s4], [sflag:$0x2], s1, s31, s30, $0x20;
	[tilespmem:$0x10100] =	vst v63  }
.LBB1_14:
0x22: {  	p0 =	slt.u32 s16, $0x2  }
0x23: {  	s0 =	smov.u32 s20;
	s2 =	smov.u32 s19;
	p1 =	sgt.s32 @!p0 s20, $0x1  }
0x24: {  	s1 =	sshra.s32 @!p0 s20, $0x1F;
	s3 =	sshra.s32 @!p0 s19, $0x1F;
	p1 =	por !p1, p0  }
0x25: {  	s1 =	sand.u32 @!p0 s1, s20;
	s0 =	simm.s32 @p1 $0x1;
	p1 =	sgt.s32 @!p0 s19, $0xDF  }
0x26: {  	p2 =	sgt.s32 @!p0 s18, $0x80;
	s1 =	sxor.u32 @!p0 $0xFFFFFFFF, s1;
	p1 =	por !p1, p0  }
0x27: {  	s0 =	sadd.s32 @!p0 s1, s0;
	s1 =	sand.u32 @!p0 s3, s19;
	s2 =	simm.s32 @p1 $0xDF  }
0x28: {  	p2 =	por !p2, p0;
	s3 =	smov.u32 s18;
	s1 =	ssub.s32 @!p0 s2, s1  }
0x29: {  	p1 =	sgt.s32 @!p0 s0, $0x0;
	s0 =	ssub.s32 @!p0 $0x1, s0;
	s2 =	sadd.s32 @!p0 $0xFFFFFF21, s1  }
0x2a: {  	s3 =	simm.s32 @p2 $0x80;
	p2 =	sgt.s32 @!p0 s2, $0x0;
	s2 =	sshra.s32 @!p0 s18, $0x1F  }
0x2b: {  	s0 =	smul.u32 @!p0 $0x60, s0;
	p1 =	por !p1, p0;
	s2 =	sand.u32 @!p0 s2, s18  }
0x2c: {  	s1 =	ssub.s32 @!p0 $0xE0, s1;
	p2 =	por !p2, p0;
	s2 =	ssub.s32 @!p0 s3, s2  }
0x2d: {  	s0 =	simm.s32 @!p1 $0x0;
	s1 =	simm.s32 @!p2 $0x0;
	s3 =	sadd.s32 @!p0 $0xFFFFFF80, s2  }
0x2e: {  	s4 =	smov.u32 s14;
	s0 =	smul.u32 @!p0 s0, s1;
	p1 =	sgt.s32 @!p0 s3, $0x7F  }
0x2f: {  	s1 =	ssub.s32 @!p0 $0x100, s2;
	s2 =	sadd.s32 $0x80, s12;
	p1 =	por !p1, p0  }
0x30: {  	s3 =	sadd.s32 $0x10, s14;
	s1 =	simm.s32 @!p1 $0x0;
	p1 =	sgt.s32 s2, $0xDF  }
0x31: {  	s0 =	smul.u32 @!p0 s1, s0;
	s4 =	smov.u32 @p1 s3  }
0x32: {  	s1 =	sadd.s32 $0x2, s15;
	s3 =	smov.u32 s15;
	p2 =	sgt.s32 s4, $0xDF  }
0x33: {  	s20 =	smov.u32 s17;
	s3 =	smov.u32 @p2 s1  }
0x34: {  	s17 =	smov.u32 s15;
	s2 =	simm.s32 @p1 $0x0;
	p1 =	sgt.s32 s3, $0x1  }
0x35: {  	s19 =	smov.u32 s11;
	s3 =	smov.u32 @p1 s6;
	p1 =	sne.s32 s16, s13  }
.Ltmp1:
0x36: {  	s11 =	smov.u32 s14;
	s18 =	smov.u32 s10;
	(pc) =	sbr.rel @!p1 .LBB1_15-.Ltmp1, $4  }
0x37: {  	s10 =	smov.u32 s12;
	s0 =	sand.u32 @!p0 $0x3FFFFFE0, s0;
	s1 =	simm.s32 @!p0 $0x2  }
0x38: {  	s12 =	smov.u32 s2;
	s4 =	smov.u32 @p2 s9;
	_ =	swait.ge @!p0 [sflag:s1], s0  }
0x39: {  	s0 =	ssub.s32 @!p0 $0x0, s0;
	s14 =	smov.u32 s4;
	[sflag:s1] =	ssyncset.done @!p0 $0x0  }
0x3a: {  	s16 =	sadd.s32 $0x1, s16;
	[sflag:s1] =	ssyncadd.s32 @!p0 s0;
	s15 =	smov.u32 s3  }
.LBB1_1:
0x3b: {  	p0 =	sge.u32 s16, s8;
	s2 =	smov.u32 s15;
	s4 =	smov.u32 s14  }
0x3c: {  	s31 =	sadd.s32 $0xFFFFFFFF, s16;
	s0 =	sand.u32 @!p0 $0x1FFFFFF, s12;
	p1 =	sgt.s32 @!p0 s15, $0x1  }
0x3d: {  	s3 =	sshra.s32 @!p0 s15, $0x1F;
	s5 =	sshra.s32 @!p0 s14, $0x1F;
	s1 =	smulhi.u32 @!p0 $0x2492493, s0  }
0x3e: {  	p1 =	por !p1, p0;
	s3 =	sand.u32 @!p0 s3, s15;
	s5 =	sand.u32 @!p0 s5, s14  }
0x3f: {  	s2 =	simm.s32 @p1 $0x1;
	p1 =	sgt.s32 @!p0 s14, $0xDF;
	s3 =	sxor.u32 @!p0 $0xFFFFFFFF, s3  }
0x40: {  	s1 =	sshrl.u32 @!p0 s1, $0x1;
	p1 =	por !p1, p0;
	s2 =	sadd.s32 @!p0 s3, s2  }
0x41: {  	s1 =	smul.u32 @!p0 $0xE0, s1;
	s4 =	simm.s32 @p1 $0xDF;
	p1 =	sgt.s32 @!p0 s12, $0x60  }
0x42: {  	p2 =	sgt.s32 @!p0 s2, $0x0;
	s2 =	sshll.u32 @!p0 s2, $0x7;
	s3 =	ssub.s32 @!p0 s4, s5  }
0x43: {  	p1 =	por !p1, p0;
	s4 =	smov.u32 s12;
	s5 =	sadd.s32 @!p0 $0xFFFFFF21, s3  }
0x44: {  	s4 =	simm.s32 @p1 $0x60;
	p1 =	sgt.s32 @!p0 s5, $0x0;
	s5 =	sshra.s32 @!p0 s12, $0x1F  }
0x45: {  	s2 =	ssub.s32 @!p0 $0x80, s2;
	p2 =	por !p2, p0;
	s5 =	sand.u32 @!p0 s5, s12  }
0x46: {  	s3 =	ssub.s32 @!p0 $0xE0, s3;
	p1 =	por !p1, p0;
	s4 =	ssub.s32 @!p0 s4, s5  }
0x47: {  	s2 =	simm.s32 @!p2 $0x0;
	s3 =	simm.s32 @!p1 $0x0;
	s5 =	sadd.s32 @!p0 $0xFFFFFFA0, s4  }
0x48: {  	s0 =	ssub.s32 @!p0 s0, s1;
	s2 =	smul.u32 @!p0 s3, s2;
	p1 =	sgt.s32 @!p0 s5, $0x7F  }
0x49: {  	s3 =	ssub.s32 @!p0 $0xE0, s4;
	s4 =	smul.u32 @!p0 $0xC4000, s15;
	p1 =	por !p1, p0  }
0x4a: {  	s1 =	smul.u32 @!p0 $0xE00, s14;
	s5 =	sxor.u32 @!p0 $0xFFFFFFFF, s16;
	s3 =	simm.s32 @!p1 $0x0  }
0x4b: {  	s5 =	sshll.u32 @!p0 s5, $0xE;
	s2 =	smul.u32 @!p0 s3, s2;
	s3 =	sadd.s32 @!p0 s7, s4  }
0x4c: {  	s0 =	sshll.u32 @!p0 s0, $0x4;
	s4 =	sand.u32 @!p0 $0x4000, s5;
	s1 =	sadd.s32 @!p0 s1, s3  }
0x4d: {  	s2 =	sand.u32 @!p0 $0x3FFFFF80, s2;
	s0 =	sadd.s32 @!p0 s0, s1;
	s1 =	simm.s32 @!p0 $0x0  }
0x4e: {  	[tilespmem:s4], [sflag:$0x1] =	stream.linear.gather @!p0 [hbm4b:s0+s1], s2, $0x38;
	[tilespmem:$0x10100] =	vst v63  }
0x4f: {  	p0 =	sge.u32 s31, s8  }
.Ltmp2:
0x50: {  	_ = 	snop;
	(pc) =	sbr.rel @p0 .LBB1_14-.Ltmp2, $1  }
0x51: {  	_ =	sdelay $0x3  }
0x52: {  	p0 =	sgt.s32 s17, $0x1  }
0x53: {  	s0 =	sshra.s32 s17, $0x1F;
	p1 =	sgt.s32 s11, $0xDF;
	s1 =	smov.u32 s11  }
0x54: {  	s2 =	sshra.s32 s11, $0x1F;
	s3 =	smov.u32 s17;
	s24 =	ssub.s32 $0x0, s10  }
0x55: {  	s25 =	sshra.s32 s10, $0x1F;
	p2 =	sgt.s32 s10, $0x60;
	s4 =	smov.u32 s10  }
0x56: {  	s0 =	sand.u32 s0, s17;
	s1 =	simm.s32 @!p1 $0xDF;
	s2 =	sand.u32 s2, s11  }
0x57: {  	s3 =	simm.s32 @!p0 $0x1;
	s0 =	sxor.u32 $0xFFFFFFFF, s0;
	s1 =	ssub.s32 s1, s2  }
0x58: {  	s4 =	simm.s32 @!p2 $0x60;
	s0 =	sadd.s32 s0, s3;
	s2 =	sadd.s32 $0xFFFFFF21, s1  }
0x59: {  	s1 =	ssub.s32 $0xE0, s1;
	p0 =	sgt.s32 s0, $0x0;
	s0 =	ssub.s32 $0x1, s0  }
0x5a: {  	p1 =	sgt.s32 s2, $0x0;
	s2 =	sand.u32 s24, s25;
	s0 =	simm.s32 @p0 $0x0  }
0x5b: {  	s1 =	simm.s32 @p1 $0x0;
	[dreg:$0xd] =	wrdreg s2;
	s2 =	sadd.s32 s2, s4  }
0x5c: {  	s26 =	smul.u32 s0, s1;
	s27 =	sadd.s32 $0xFFFFFFA0, s2  }
0x5d: {  	s0 =	ssub.s32 $0xE0, s2;
	s1 =	sadd.s32 $0x1, s17;
	p0 =	sgt.s32 s27, $0x7F  }
0x5e: {  	s2 =	sadd.s32 $0x1, s11;
	s0 =	simm.s32 @p0 $0x0;
	p0 =	slt.s32 s1, $0x2  }
0x5f: {  	s1 =	simm.s32 @!p0 $0x2;
	p0 =	slt.s32 s2, $0xE0  }
0x60: {  	s23 =	ssub.s32 s1, s17;
	s2 =	simm.s32 @!p0 $0xE0;
	s1 =	sadd.s32 $0x80, s10  }
0x61: {  	s24 =	ssub.s32 s2, s11;
	p1 =	slt.s32 s1, $0xE0;
	p0 =	slt.s32 s23, $0x1  }
0x62: {  	[dreg:$0xb] =	wrdreg s20;
	s1 =	simm.s32 @!p1 $0xE0;
	p1 =	slt.s32 @!p0 s24, $0x1  }
0x63: {  	[dreg:$0xa] =	wrdreg s19;
	s25 =	ssub.s32 s1, s10;
	p1 =	por p0, p1  }
0x64: {  	[dreg:$0x9] =	wrdreg s18;
	s0 =	smul.u32 s0, s26;
	p2 =	slt.s32 @!p1 s25, $0x1  }
0x65: {  	[dreg:$0x8] =	wrdreg s17;
	p1 =	por p1, p2  }
.Ltmp3:
0x66: {  	s29 =	simm.s32 $0x1;
	s0 =	sshll.u32 s0, $0x7;
	(pc) =	sbr.rel @p1 .LBB1_13-.Ltmp3, $4  }
0x67: {  	[dreg:$0xc] =	wrdreg s26;
	s28 =	sand.u32 $0x3FFFFF80, s0;
	s0 =	sand.u32 $0x1, s16  }
0x68: {  	_ =	swait.ge [sflag:s29], s28;
	s31 =	smul.u32 $0x4080, s0  }
0x69: {  	s30 =	ssub.s32 $0x0, s28;
	[sflag:s29] =	ssyncset.done $0x0  }
0x6a: {  	[sflag:s29] =	ssyncadd.s32 s30;
	[dreg:$0xe] =	wrdreg s31  }
.Ltmp4:
0x6b: {  	(pc) =	sbr.rel .LBB1_4-.Ltmp4, $3  }
0x6c: {  	_ =	sdelay $0x1  }
0x6d: {  	s26 =	sshll.u32 @!p0 s0, $0xE;
	s0 =	rddreg [dreg:$0xe]  }
0x6e: {  	s28 =	simm.s32 $0x0;
	s27 =	sor.u32 @!p0 $0x8000, s0  }
.LBB1_12:
0x6f: {  	s28 =	sadd.s32 $0x1, s28  }
0x70: {  	p0 =	sne.s32 s28, s23  }
.Ltmp5:
0x71: {  	_ = 	snop;
	(pc) =	sbr.rel @!p0 .LBB1_13-.Ltmp5, $1  }
0x72: {  	_ =	sdelay $0x3  }
.LBB1_4:
0x73: {  	s0 =	smul.u32 $0x10200, s28;
	_ =	sdelay $0x1  }
0x74: {  	s0 =	sshra.s32 s0, $0x2  }
0x75: {  	s29 =	sadd.s32 s0, s27  }
0x76: {  	s9 =	simm.s32 $0x0;
	s30 =	sadd.s32 $0x810, s29;
	s31 =	sadd.s32 $0x1020, s29  }
0x77: {  	s0 =	sadd.s32 $0x1830, s29;
	s1 =	sadd.s32 $0x2040, s29;
	s2 =	sadd.s32 $0x2850, s29  }
.LBB1_5:
0x78: {  	s3 =	sadd.s32 s28, s9  }
0x79: {  	s3 =	sshll.u32 s3, $0x10  }
0x7a: {  	s3 =	sshra.s32 s3, $0x2  }
0x7b: {  	s3 =	sadd.s32 s3, s26  }
0x7c: {  	v0 =	vmov s3;
	_ =	sdelay $0x2  }
0x7d: {  	s17 =	simm.s32 $0x0  }
0x7e: {  	p1 =	sne.s32 s25, $0x1;
	s21 =	sand.u32 $0x3F80, s17  }
.Ltmp6:
0x7f: {  	s22 =	sand.u32 $0x7, s9;
	v8 =	vld.idx.msk [tilespmem:v0+s21+$0x0 ss:$0x1], $0xffff;
	(pc) =	sbr.rel @!p1 .LBB1_6-.Ltmp6, $4  }
0x80: {  	s13 =	simm.s32 $0x1;
	s5 =	smul.u32 $0x81, s22;
	v9 =	vld.idx.msk [tilespmem:v0+s21+$0x10 ss:$0x1], $0xffff  }
0x81: {  	s18 =	simm.s32 $0x80;
	p0 =	por $0x0, $0x0;
	s17 =	sand.u32 $0x7F, s17;
	v10 =	vld.idx.msk [tilespmem:v0+s21+$0x20 ss:$0x1], $0xffff  }
0x82: {  	s6 =	sadd.s32 s5, s29;
	s7 =	sadd.s32 s5, s31;
	s8 =	sadd.s32 s5, s0;
	v11 =	vld.idx.msk [tilespmem:v0+s21+$0x30 ss:$0x1], $0xffff  }
0x83: {  	s4 =	sadd.s32 s5, s1;
	s3 =	sadd.s32 s5, s30;
	s5 =	sadd.s32 s5, s2;
	v7 =	vld.idx.msk [tilespmem:v0+s21+$0x40 ss:$0x1], $0xffff  }
0x84: {  	_ =	sdelay $0x3  }
0x85: {  	s20 =	sand.u32 $0x3F80, s18;
	s19 =	sadd.s32 s17, s6;
	v1 =	vld.idx.msk [tilespmem:v0+s21+$0x50 ss:$0x1], $0xffff;
	p1 =	sne.s32 s25, $0x2  }
.Ltmp7:
0x86: {  	s22 =	sadd.s32 s17, s3;
	v2 =	vld.idx.msk [tilespmem:v0+s20+$0x0 ss:$0x1], $0xffff;
	[tilespmem:s19+$0x0 ss:$0x81] =	vst.msk $0xffff, v8;
	(pc) =	sbr.rel @!p1 .LBB1_8-.Ltmp7, $4  }
0x87: {  	v3 =	vld.idx.msk [tilespmem:v0+s20+$0x10 ss:$0x1], $0xffff;
	[tilespmem:s22+$0x0 ss:$0x81] =	vst.msk $0xffff, v9;
	s19 =	sadd.s32 s17, s7  }
0x88: {  	v4 =	vld.idx.msk [tilespmem:v0+s20+$0x20 ss:$0x1], $0xffff;
	s22 =	sadd.s32 s17, s8;
	[tilespmem:s19+$0x0 ss:$0x81] =	vst.msk $0xffff, v10  }
0x89: {  	s21 =	simm.s32 $0x2;
	s18 =	sadd.s32 s17, s5;
	v5 =	vld.idx.msk [tilespmem:v0+s20+$0x30 ss:$0x1], $0xffff;
	s19 =	sadd.s32 s17, s4;
	[tilespmem:s22+$0x0 ss:$0x81] =	vst.msk $0xffff, v11  }
0x8a: {  	p0 =	por $0x1, $0x1;
	v6 =	vld.idx.msk [tilespmem:v0+s20+$0x40 ss:$0x1], $0xffff;
	s22 =	sand.u32 $0x7F, s13;
	s13 =	simm.s32 $0x100;
	[tilespmem:s19+$0x0 ss:$0x81] =	vst.msk $0xffff, v7  }
.LBB1_9:
0x8b: {  	s19 =	smov.u32 s21;
	s21 =	sadd.s32 $0x1, s21  }
0x8c: {  	s17 =	sadd.s32 s22, s6;
	[tilespmem:s18+$0x0 ss:$0x81] =	vst.msk $0xffff, v1;
	v1 =	vld.idx.msk [tilespmem:v0+s20+$0x50 ss:$0x1], $0xffff;
	s20 =	sand.u32 $0x3F80, s13;
	p1 =	sne.s32 s25, s21  }
.Ltmp8:
0x8d: {  	[tilespmem:s17+$0x0 ss:$0x81] =	vst.msk $0xffff, v2;
	v2 =	vld.idx.msk [tilespmem:v0+s20+$0x0 ss:$0x1], $0xffff;
	s17 =	sadd.s32 s22, s3;
	(pc) =	sbr.rel @p1 .LBB1_9-.Ltmp8, $4  }
0x8e: {  	[tilespmem:s17+$0x0 ss:$0x81] =	vst.msk $0xffff, v3;
	v3 =	vld.idx.msk [tilespmem:v0+s20+$0x10 ss:$0x1], $0xffff;
	s17 =	sadd.s32 s22, s7  }
0x8f: {  	[tilespmem:s17+$0x0 ss:$0x81] =	vst.msk $0xffff, v4;
	v4 =	vld.idx.msk [tilespmem:v0+s20+$0x20 ss:$0x1], $0xffff;
	s17 =	sadd.s32 s22, s8  }
0x90: {  	[tilespmem:s17+$0x0 ss:$0x81] =	vst.msk $0xffff, v5;
	v5 =	vld.idx.msk [tilespmem:v0+s20+$0x30 ss:$0x1], $0xffff;
	s17 =	sadd.s32 s22, s4  }
0x91: {  	s13 =	sadd.s32 $0x80, s13;
	s18 =	sadd.s32 s22, s5;
	s22 =	sand.u32 $0x7F, s19;
	[tilespmem:s17+$0x0 ss:$0x81] =	vst.msk $0xffff, v6;
	v6 =	vld.idx.msk [tilespmem:v0+s20+$0x40 ss:$0x1], $0xffff  }
0x92: {  	_ =	sdelay $0x3  }
0x93: {  	s17 =	smov.u32 s22;
	s21 =	smov.u32 s20;
	v8 =	vmovc v2;
	v9 =	vmovc v3;
	v10 =	vmov v4;
	v11 =	vmov v5;
	v7 =	vmov v6  }
.LBB1_11:
0x94: {  	_ =	sdelay $0x2  }
0x95: {  	s6 =	sadd.s32 s17, s6;
	[tilespmem:s18+$0x0 ss:$0x81] =	vst.msk @p0 $0xffff, v1;
	s9 =	sadd.s32 $0x1, s9  }
0x96: {  	v0 =	vld.idx.msk [tilespmem:v0+s21+$0x50 ss:$0x1], $0xffff;
	s3 =	sadd.s32 s17, s3;
	[tilespmem:s6+$0x0 ss:$0x81] =	vst.msk $0xffff, v8;
	p0 =	sne.s32 s9, s24  }
.Ltmp9:
0x97: {  	s19 =	sadd.s32 s17, s7;
	[tilespmem:s3+$0x0 ss:$0x81] =	vst.msk $0xffff, v9;
	(pc) =	sbr.rel @p0 .LBB1_5-.Ltmp9, $4  }
.Ltmp10:
0x98: {  	s20 =	sadd.s32 s17, s8;
	[tilespmem:s19+$0x0 ss:$0x81] =	vst.msk $0xffff, v10;
	(pc) =	sbr.rel @!p0 .LBB1_12-.Ltmp10, $4  }
0x99: {  	s21 =	sadd.s32 s17, s4;
	[tilespmem:s20+$0x0 ss:$0x81] =	vst.msk $0xffff, v11  }
0x9a: {  	s22 =	sadd.s32 s17, s5;
	[tilespmem:s21+$0x0 ss:$0x81] =	vst.msk $0xffff, v7  }
0x9b: {  	[tilespmem:s22+$0x0 ss:$0x81] =	vst.msk $0xffff, v0  }
0x9c: {  	_ = 	snop  }
.LBB1_6:
.Ltmp11:
0x9d: {  	(pc) =	sbr.rel .LBB1_11-.Ltmp11, $2  }
0x9e: {  	_ =	sdelay $0x2  }
0x9f: {  	_ = 	snop  }
.LBB1_8:
.Ltmp12:
0xa0: {  	_ = 	snop;
	(pc) =	sbr.rel .LBB1_11-.Ltmp12, $2  }
0xa1: {  	_ =	sdelay $0x2  }
0xa2: {  	s17 =	smov.u32 s22;
	s21 =	smov.u32 s20;
	v8 =	vmovc v2;
	v9 =	vmovc v3;
	v10 =	vmov v4;
	v11 =	vmov v5;
	v7 =	vmov v6  }
.LBB1_15:
0xa3: {  	_ =	sfence.sel $0x180000  }
0xa4: {  	s0 =	simm.s32 $0x1;
	[bflag:$0x0] =	sbarrier.arrive $0xFFFF  }
0xa5: {  	s30 =	simm.s32 $0x2;
	[sflag:s0] =	ssyncpa.u1 $0x1  }
0xa6: {  	[sflag:s30] =	ssyncpa.u1 $0x1  }
0xa7: {  	_ =	strace $0x90000047  }
0xa8: {  	s31 =	stileid.u32;
	[bflag:$0x2] =	sbarrier.arrive $0xFFFF  }
0xa9: {  	p0 =	sne.s32 s31, $0x0;
	s0 =	rddreg [dreg:$0x2]  }
0xaa: {  	s0 =	sadd.s32 @!p0 $0x100000, s0  }
0xab: {  	[sflag:s0] =	ssyncadd.tile.s32 @!p0 $0x1;
	_ =	shalt  }
.Lfunc_end1:
_tile_overlayer_lowered:
.L_overlay_start_2:
0xac: {  	(tag) =	ssettag $0x2  }
0xad: {  	s0 =	rddreg [dreg:$0x0];
	s2 =	stileid.u32  }
0xae: {  	s1 =	rddreg [dreg:$0x1];
	p0 =	sne.s32 s2, $0x0  }
0xaf: {  	s3 =	rddreg [dreg:$0x2];
	[bflag:$0x3] =	sbarrier.arrive $0xFFFF;
	s2 =	simm.s32 @!p0 $0x1C01  }
0xb0: {  	[timem:s3], [sflag:s2] =	dma.local @!p0 [hbm:s0], s1  }
0xb1: {  	s0 =	simm.s32 @!p0 $0x1  }
0xb2: {  	_ =	swait.ge @!p0 [sflag:s0], s1  }
0xb3: {  	s1 =	ssub.s32 @!p0 $0x0, s1;
	[sflag:s0] =	ssyncset.done @!p0 $0x0  }
0xb4: {  	[sflag:s0] =	ssyncadd.s32 @!p0 s1  }
0xb5: {  	[bflag:$0x3] =	sbarrier.arrive $0xFFFF  }
0xb6: {  	_ =	shalt  }

</sc_bundles>
